<compile_context>
chip_gen: v7x
topology: tpu7x:2x2x1
jax: 0.10.2.dev20260603
libtpu: 0.0.44.dev20260713+nightly
codegen_flags: <defaults>
</compile_context>

<pallas_src>
import functools

import jax
import jax.numpy as jnp
from jax import lax
from jax.experimental import pallas as pl
from jax.experimental.pallas import tpu as pltpu
from jax.experimental.pallas import tpu_sc as plsc

N = 10000
E = 320000
NC, NS = 2, 16
C = 128
EPT = 20480
EPAD = NS * EPT - E
CHUNKS = EPT // C
PAD_DST = 10239
HALF = 5120
TRASH = HALF
HPAD = HALF + 8
HSTRIPE = HALF // NS
NPAD = 10240
DROWS = NPAD // 128
RBLK = 2048

_mesh = plsc.VectorSubcoreMesh(core_axis_name="c", subcore_axis_name="s")



@functools.partial(
    pl.kernel,
    out_type=jax.ShapeDtypeStruct((NC, NS, DROWS, 128), jnp.float32),
    mesh=_mesh,
    scratch_types=[
        pltpu.VMEM((CHUNKS, C), jnp.int32),
        pltpu.VMEM((DROWS, 128), jnp.float32),
    ],
    compiler_params=pltpu.CompilerParams(needs_layout_passes=False),
)
def _deg_kernel(dst_hbm, zeros_hbm, out_hbm, dst_v, deg_v):
    c = lax.axis_index("c")
    s = lax.axis_index("s")
    pltpu.sync_copy(dst_hbm.at[s], dst_v)
    pltpu.sync_copy(zeros_hbm.at[pl.ds(0, DROWS)], deg_v)
    ones = jnp.ones((16,), jnp.float32)

    def body(j, carry):
        for k in range(C // 16):
            idx = dst_v[j, pl.ds(k * 16, 16)]
            hi = lax.shift_right_logical(idx, 7)
            lo = lax.bitwise_and(idx, 127)
            plsc.addupdate_scatter(deg_v, [hi, lo], ones)
        return carry

    lax.fori_loop(c * (CHUNKS // NC), (c + 1) * (CHUNKS // NC), body, 0)
    pltpu.sync_copy(deg_v, out_hbm.at[c, s])


@functools.partial(
    pl.kernel,
    out_type=jax.ShapeDtypeStruct((NC, HALF, 128), jnp.float32),
    mesh=_mesh,
    scratch_types=[
        pltpu.VMEM((CHUNKS, C), jnp.int32),
        pltpu.VMEM((CHUNKS, C), jnp.int32),
        pltpu.VMEM((C, 128), jnp.float32),
        pltpu.VMEM((C, 128), jnp.float32),
        pltpu.VMEM_SHARED((HPAD, 128), jnp.float32),
        pltpu.SemaphoreType.DMA,
        pltpu.SemaphoreType.DMA,
    ],
    compiler_params=pltpu.CompilerParams(needs_layout_passes=False),
)
def _agg(h_hbm, src_hbm, dst_hbm, zeros_hbm, out_hbm,
         src_v, dst_v, rows0, rows1, acc_sh, sem0, sem1):
    c = lax.axis_index("c")
    s = lax.axis_index("s")

    ICH = 16

    def icopy(j, carry):
        pltpu.sync_copy(src_hbm.at[s, pl.ds(j * ICH, ICH)],
                        src_v.at[pl.ds(j * ICH, ICH)])
        pltpu.sync_copy(dst_hbm.at[s, pl.ds(j * ICH, ICH)],
                        dst_v.at[pl.ds(j * ICH, ICH)])
        return carry

    lax.fori_loop(0, CHUNKS // ICH, icopy, 0)
    pltpu.sync_copy(zeros_hbm, acc_sh.at[pl.ds(s * HSTRIPE, HSTRIPE)])

    @pl.when(s == 0)
    def _():
        pltpu.sync_copy(zeros_hbm.at[pl.ds(0, 8)], acc_sh.at[pl.ds(HALF, 8)])

    base = c * HALF

    def tbody(j, carry):
        for k in range(C // 16):
            d = dst_v[j, pl.ds(k * 16, 16)] - base
            ok = (d >= 0) & (d < HALF)
            dst_v[j, pl.ds(k * 16, 16)] = jnp.where(ok, d, TRASH)
        return carry

    lax.fori_loop(0, CHUNKS, tbody, 0)
    plsc.subcore_barrier()

    bufs = (rows0, rows1)
    sems = (sem0, sem1)
    NBUF = 2
    for b in range(NBUF):
        pltpu.async_copy(h_hbm.at[src_v.at[b]], bufs[b], sems[b])

    def body(i, carry):
        for b in range(NBUF):
            j = i * NBUF + b
            pltpu.make_async_copy(h_hbm.at[src_v.at[j]], bufs[b], sems[b]).wait()
            pltpu.sync_copy(bufs[b], acc_sh.at[dst_v.at[j]], add=True)

            @pl.when(i < CHUNKS // NBUF - 1)
            def _():
                pltpu.async_copy(h_hbm.at[src_v.at[j + NBUF]], bufs[b], sems[b])
        return carry

    lax.fori_loop(0, CHUNKS // NBUF, body, 0)
    plsc.subcore_barrier()
    pltpu.sync_copy(acc_sh.at[pl.ds(s * HSTRIPE, HSTRIPE)],
                    out_hbm.at[c, pl.ds(s * HSTRIPE, HSTRIPE)])



def _dinv_of(deg_ref):
    deg = jnp.sum(deg_ref[...], axis=(0, 1))[:, None] + 1.0
    return lax.rsqrt(deg)


def _tc1_body(x_ref, w_ref, deg_ref, out_ref):
    dinv = _dinv_of(deg_ref)
    out_ref[...] = jnp.dot(x_ref[...], w_ref[...],
                           preferred_element_type=jnp.float32) * dinv


def _tc2_body(acc_ref, h_ref, deg_ref, b_ref, w_ref, out_ref):
    dinv = _dinv_of(deg_ref)
    z = (acc_ref[...] + h_ref[...]) * dinv + b_ref[...]
    z = jnp.maximum(z, 0.0)
    h2 = jnp.dot(z, w_ref[...], preferred_element_type=jnp.float32) * dinv
    out_ref[...] = jnp.concatenate([h2, jnp.zeros_like(h2)], axis=1)


def _tc3_body(acc_ref, h_ref, deg_ref, b_ref, w_ref, bfc_ref, out_ref):
    dinv = _dinv_of(deg_ref)
    z = (acc_ref[:, :64] + h_ref[:, :64]) * dinv + b_ref[...]
    z = jnp.maximum(z, 0.0)
    out_ref[...] = jnp.dot(z, w_ref[...],
                           preferred_element_type=jnp.float32) + bfc_ref[...]


def _tc1(x, W1, deg):
    return pl.pallas_call(
        _tc1_body,
        grid=(pl.cdiv(N, RBLK),),
        in_specs=[
            pl.BlockSpec((RBLK, 128), lambda i: (i, 0)),
            pl.BlockSpec((128, 128), lambda i: (0, 0)),
            pl.BlockSpec((NC, NS, RBLK), lambda i: (0, 0, i)),
        ],
        out_specs=pl.BlockSpec((RBLK, 128), lambda i: (i, 0)),
        out_shape=jax.ShapeDtypeStruct((N, 128), jnp.float32),
    )(x, W1, deg)


def _tc2(acc, h1p, deg, b1, W2):
    return pl.pallas_call(
        _tc2_body,
        grid=(pl.cdiv(N, RBLK),),
        in_specs=[
            pl.BlockSpec((RBLK, 128), lambda i: (i, 0)),
            pl.BlockSpec((RBLK, 128), lambda i: (i, 0)),
            pl.BlockSpec((NC, NS, RBLK), lambda i: (0, 0, i)),
            pl.BlockSpec((1, 128), lambda i: (0, 0)),
            pl.BlockSpec((128, 64), lambda i: (0, 0)),
        ],
        out_specs=pl.BlockSpec((RBLK, 128), lambda i: (i, 0)),
        out_shape=jax.ShapeDtypeStruct((N, 128), jnp.float32),
    )(acc, h1p, deg, b1, W2)


def _tc3(acc, h2p, deg, b2, Wfc, bfc):
    return pl.pallas_call(
        _tc3_body,
        grid=(pl.cdiv(N, RBLK),),
        in_specs=[
            pl.BlockSpec((RBLK, 128), lambda i: (i, 0)),
            pl.BlockSpec((RBLK, 128), lambda i: (i, 0)),
            pl.BlockSpec((NC, NS, RBLK), lambda i: (0, 0, i)),
            pl.BlockSpec((1, 64), lambda i: (0, 0)),
            pl.BlockSpec((64, 1), lambda i: (0, 0)),
            pl.BlockSpec((1, 1), lambda i: (0, 0)),
        ],
        out_specs=pl.BlockSpec((RBLK, 1), lambda i: (i, 0)),
        out_shape=jax.ShapeDtypeStruct((N, 1), jnp.float32),
    )(acc, h2p, deg, b2, Wfc, bfc)



def kernel(x, edge_index, W1, b1, W2, b2, Wfc, bfc):
    src = jnp.concatenate(
        [edge_index[0].astype(jnp.int32),
         jnp.zeros((EPAD,), jnp.int32)]).reshape(NS, CHUNKS, C)
    dst = jnp.concatenate(
        [edge_index[1].astype(jnp.int32),
         jnp.full((EPAD,), PAD_DST, jnp.int32)]).reshape(NS, CHUNKS, C)
    zeros128 = jnp.zeros((HSTRIPE, 128), jnp.float32)

    deg = _deg_kernel(dst, zeros128)
    deg = deg.reshape(NC, NS, NPAD)
    h1p = _tc1(x, W1, deg)
    acc1 = _agg(h1p, src, dst, zeros128)
    acc1 = acc1.reshape(NPAD, 128)[:N]
    h2p = _tc2(acc1, h1p, deg, b1.reshape(1, -1), W2)
    acc2 = _agg(h2p, src, dst, zeros128)
    acc2 = acc2.reshape(NPAD, 128)[:N]
    out = _tc3(acc2, h2p, deg, b2.reshape(1, -1), Wfc, bfc.reshape(1, 1))
    return out

# --- scband reference (transcript-rebuilt; emitter-appended) ---
"""Pipeline reference for scband-traffic-anomaly-gnn-816043786525 (READ-ONLY COPY).

The authoritative reference and input builder live on the scoring server;
editing this copy changes nothing except your own understanding.
"""

import jax, jax.numpy as jnp
import numpy as np

N_NODES = 10000


def gcn_conv(x, edge_index, W, b):
    n = x.shape[0]
    src = edge_index[0]
    dst = edge_index[1]
    # add self loops
    loop = jnp.arange(n, dtype=src.dtype)
    src = jnp.concatenate([src, loop])
    dst = jnp.concatenate([dst, loop])
    # symmetric normalization (GCN): deg over dst with unit edge weights
    deg = jnp.zeros((n,), dtype=x.dtype).at[dst].add(1.0)
    deg_inv_sqrt = jnp.where(deg > 0, jax.lax.rsqrt(deg), 0.0)
    norm = deg_inv_sqrt[src] * deg_inv_sqrt[dst]
    h = x @ W
    msg = h[src] * norm[:, None]
    out = jnp.zeros((n, W.shape[1]), dtype=x.dtype).at[dst].add(msg)
    return out + b


def setup_inputs(seed: int = 0) -> dict:
    key = jax.random.key(seed)
    k_x, k_e, k_w1, k_b1, k_w2, k_b2, k_wf, k_bf = jax.random.split(key, 8)
    in_c, hid_c, out_c = 128, 128, 64
    x = jax.random.normal(k_x, (N_NODES, in_c), dtype=jnp.float32)
    edge_index = jax.random.randint(k_e, (2, 320000), 0, N_NODES, dtype=jnp.int64)
    W1 = jax.random.normal(k_w1, (in_c, hid_c), dtype=jnp.float32) * (1.0 / np.sqrt(in_c))
    b1 = jnp.zeros((hid_c,), dtype=jnp.float32)
    W2 = jax.random.normal(k_w2, (hid_c, out_c), dtype=jnp.float32) * (1.0 / np.sqrt(hid_c))
    b2 = jnp.zeros((out_c,), dtype=jnp.float32)
    Wfc = jax.random.normal(k_wf, (out_c, 1), dtype=jnp.float32) * (1.0 / np.sqrt(out_c))
    bfc = jnp.zeros((1,), dtype=jnp.float32)
    return {"x": x, "edge_index": edge_index, "W1": W1, "b1": b1, "W2": W2, "b2": b2, "Wfc": Wfc, "bfc": bfc}


def reference(x, edge_index, W1, b1, W2, b2, Wfc, bfc):
    h = jax.nn.relu(gcn_conv(x, edge_index, W1, b1))
    h = jax.nn.relu(gcn_conv(h, edge_index, W2, b2))
    out = h @ Wfc + bfc
    return out

if __name__ == "__main__":
    import jax
    _d = setup_inputs()
    print(jax.jit(kernel)(*tuple(_d.values())))

</pallas_src>

<mosaic_0001>
#map = affine_map<(d0, d1) -> (0, 0, 0)>
#map1 = affine_map<(d0, d1) -> (0, 0)>
#map2 = affine_map<(d0, d1) -> (0, 0, 0, 0)>
module attributes {stable_mosaic.version = 14 : i64} {
  func.func @_deg_kernel(%arg0: i32, %arg1: i32, %arg2: memref<16x160x128xi32, #tpu.memory_space<hbm>>, %arg3: memref<320x128xf32, #tpu.memory_space<hbm>>, %arg4: memref<2x16x80x128xf32, #tpu.memory_space<hbm>>, %arg5: memref<160x128xi32, #tpu.memory_space<vmem>>, %arg6: memref<80x128xf32, #tpu.memory_space<vmem>>) attributes {dimension_semantics = [#tpu.dimension_semantics<core_parallel>, #tpu.dimension_semantics<subcore_parallel>], iteration_bounds = array<i64: 2, 16>, scalar_prefetch = 0 : i64, scratch_operands = 2 : i64, tpu.core_type = #tpu.core_type<sc_vector_subcore>, window_params = [{transform_indices = #map}, {transform_indices = #map1}, {transform_indices = #map2}]} {
    "tpu.region"() ({
      %run_scoped3A = tpu.sem_alloc : memref<!tpu.dma_semaphore, #tpu.memory_space<semaphore_mem>>
      %dma_start3A = arith.constant 0 : i32
      %dma_start3A_13 = arith.constant 0 : i32
      %dma_start3A_14 = tpu.memref_slice %arg2[%arg1, %dma_start3A, %dma_start3A_13] : memref<16x160x128xi32, #tpu.memory_space<hbm>> -> memref<1x160x128xi32, #tpu.memory_space<hbm>>
      %dma_start3A_15 = tpu.memref_squeeze %dma_start3A_14 : memref<1x160x128xi32, #tpu.memory_space<hbm>> -> memref<160x128xi32, #tpu.memory_space<hbm>>
      %dma_start3A_16 = arith.constant 0 : i32
      %dma_start3A_17 = arith.constant 0 : i32
      %dma_start3A_18 = tpu.memref_slice %arg2[%arg1, %dma_start3A_16, %dma_start3A_17] : memref<16x160x128xi32, #tpu.memory_space<hbm>> -> memref<1x160x128xi32, #tpu.memory_space<hbm>>
      %dma_start3A_19 = tpu.memref_squeeze %dma_start3A_18 : memref<1x160x128xi32, #tpu.memory_space<hbm>> -> memref<160x128xi32, #tpu.memory_space<hbm>>
      tpu.enqueue_dma source(%dma_start3A_19 : memref<160x128xi32, #tpu.memory_space<hbm>>) target(%arg5 : memref<160x128xi32, #tpu.memory_space<vmem>>) target_semaphore(%run_scoped3A : memref<!tpu.dma_semaphore, #tpu.memory_space<semaphore_mem>>)
      %dma_wait3A = arith.constant 0 : i32
      %dma_wait3A_20 = arith.constant 0 : i32
      %dma_wait3A_21 = tpu.memref_slice %arg2[%arg1, %dma_wait3A, %dma_wait3A_20] : memref<16x160x128xi32, #tpu.memory_space<hbm>> -> memref<1x160x128xi32, #tpu.memory_space<hbm>>
      %dma_wait3A_22 = tpu.memref_squeeze %dma_wait3A_21 : memref<1x160x128xi32, #tpu.memory_space<hbm>> -> memref<160x128xi32, #tpu.memory_space<hbm>>
      %dma_wait3A_23 = arith.constant 0 : i32
      %dma_wait3A_24 = arith.constant 0 : i32
      %dma_wait3A_25 = tpu.memref_slice %arg2[%arg1, %dma_wait3A_23, %dma_wait3A_24] : memref<16x160x128xi32, #tpu.memory_space<hbm>> -> memref<1x160x128xi32, #tpu.memory_space<hbm>>
      %dma_wait3A_26 = tpu.memref_squeeze %dma_wait3A_25 : memref<1x160x128xi32, #tpu.memory_space<hbm>> -> memref<160x128xi32, #tpu.memory_space<hbm>>
      tpu.wait_dma2 semaphore(%run_scoped3A : memref<!tpu.dma_semaphore, #tpu.memory_space<semaphore_mem>>) src(%dma_wait3A_26 : memref<160x128xi32, #tpu.memory_space<hbm>>) dst(%arg5 : memref<160x128xi32, #tpu.memory_space<vmem>>)
      tpu.yield
    }) : () -> ()
    "tpu.region"() ({
      %run_scoped3A = tpu.sem_alloc : memref<!tpu.dma_semaphore, #tpu.memory_space<semaphore_mem>>
      %dma_start3A = arith.constant 0 : i32
      %dma_start3A_13 = arith.constant 0 : i32
      %dma_start3A_14 = tpu.memref_slice %arg3[%dma_start3A, %dma_start3A_13] : memref<320x128xf32, #tpu.memory_space<hbm>> -> memref<80x128xf32, #tpu.memory_space<hbm>>
      %dma_start3A_15 = arith.constant 0 : i32
      %dma_start3A_16 = arith.constant 0 : i32
      %dma_start3A_17 = tpu.memref_slice %arg3[%dma_start3A_15, %dma_start3A_16] : memref<320x128xf32, #tpu.memory_space<hbm>> -> memref<80x128xf32, #tpu.memory_space<hbm>>
      tpu.enqueue_dma source(%dma_start3A_17 : memref<80x128xf32, #tpu.memory_space<hbm>>) target(%arg6 : memref<80x128xf32, #tpu.memory_space<vmem>>) target_semaphore(%run_scoped3A : memref<!tpu.dma_semaphore, #tpu.memory_space<semaphore_mem>>)
      %dma_wait3A = arith.constant 0 : i32
      %dma_wait3A_18 = arith.constant 0 : i32
      %dma_wait3A_19 = tpu.memref_slice %arg3[%dma_wait3A, %dma_wait3A_18] : memref<320x128xf32, #tpu.memory_space<hbm>> -> memref<80x128xf32, #tpu.memory_space<hbm>>
      %dma_wait3A_20 = arith.constant 0 : i32
      %dma_wait3A_21 = arith.constant 0 : i32
      %dma_wait3A_22 = tpu.memref_slice %arg3[%dma_wait3A_20, %dma_wait3A_21] : memref<320x128xf32, #tpu.memory_space<hbm>> -> memref<80x128xf32, #tpu.memory_space<hbm>>
      tpu.wait_dma2 semaphore(%run_scoped3A : memref<!tpu.dma_semaphore, #tpu.memory_space<semaphore_mem>>) src(%dma_wait3A_22 : memref<80x128xf32, #tpu.memory_space<hbm>>) dst(%arg6 : memref<80x128xf32, #tpu.memory_space<vmem>>)
      tpu.yield
    }) : () -> ()
    %broadcast_in_dim3A = arith.constant 1.000000e+00 : f32
    %broadcast_in_dim3A_0 = vector.broadcast %broadcast_in_dim3A : f32 to vector<16xf32>
    %mul3A = arith.constant 80 : i32
    %mul3A_1 = arith.muli %arg0, %mul3A : i32
    %add3A = arith.constant 1 : i32
    %add3A_2 = arith.addi %arg0, %add3A : i32
    %mul3A_3 = arith.constant 80 : i32
    %mul3A_4 = arith.muli %add3A_2, %mul3A_3 : i32
    %while3A = arith.constant 0 : i32
    %while3A_5 = arith.subi %mul3A_4, %mul3A_1 : i32
    %while3A_6 = arith.addi %mul3A_1, %while3A_5 : i32
    %while3A_7 = arith.constant 1 : i32
    %while3A_8 = arith.divsi %while3A_5, %while3A_7 : i32
    %while3A_9 = arith.muli %while3A_8, %while3A_7 : i32
    %while3A_10 = arith.addi %mul3A_1, %while3A_9 : i32
    %while3A_11 = arith.constant 1 : i32
    scf.for %while3A_13 = %mul3A_1 to %while3A_10 step %while3A_11  : i32 {
      %get3A = arith.index_cast %while3A_13 : i32 to index
      %get3A_14 = arith.constant 0 : index
      %get3A_15 = tpu.vector_load %arg5[%get3A, %get3A_14] {strides = array<i32>} : memref<160x128xi32, #tpu.memory_space<vmem>>, vector<16xi32>,
      %shift_right_logical3A = arith.constant 7 : i32
      %shift_right_logical3A_16 = vector.broadcast %shift_right_logical3A : i32 to vector<16xi32>
      %shift_right_logical3A_17 = arith.shrui %get3A_15, %shift_right_logical3A_16 : vector<16xi32>
      %and3A = arith.constant 127 : i32
      %and3A_18 = vector.broadcast %and3A : i32 to vector<16xi32>
      %and3A_19 = arith.andi %get3A_15, %and3A_18 : vector<16xi32>
      tpu.vector_store_idx %arg6[%shift_right_logical3A_17, %and3A_19], %broadcast_in_dim3A_0 {add = true} : memref<80x128xf32, #tpu.memory_space<vmem>>[vector<16xi32>, vector<16xi32>], vector<16xf32>,
      %get3A_20 = arith.index_cast %while3A_13 : i32 to index
      %get3A_21 = arith.constant 16 : index
      %get3A_22 = tpu.vector_load %arg5[%get3A_20, %get3A_21] {strides = array<i32>} : memref<160x128xi32, #tpu.memory_space<vmem>>, vector<16xi32>,
      %shift_right_logical3A_23 = arith.constant 7 : i32
      %shift_right_logical3A_24 = vector.broadcast %shift_right_logical3A_23 : i32 to vector<16xi32>
      %shift_right_logical3A_25 = arith.shrui %get3A_22, %shift_right_logical3A_24 : vector<16xi32>
      %and3A_26 = arith.constant 127 : i32
      %and3A_27 = vector.broadcast %and3A_26 : i32 to vector<16xi32>
      %and3A_28 = arith.andi %get3A_22, %and3A_27 : vector<16xi32>
      tpu.vector_store_idx %arg6[%shift_right_logical3A_25, %and3A_28], %broadcast_in_dim3A_0 {add = true} : memref<80x128xf32, #tpu.memory_space<vmem>>[vector<16xi32>, vector<16xi32>], vector<16xf32>,
      %get3A_29 = arith.index_cast %while3A_13 : i32 to index
      %get3A_30 = arith.constant 32 : index
      %get3A_31 = tpu.vector_load %arg5[%get3A_29, %get3A_30] {strides = array<i32>} : memref<160x128xi32, #tpu.memory_space<vmem>>, vector<16xi32>,
      %shift_right_logical3A_32 = arith.constant 7 : i32
      %shift_right_logical3A_33 = vector.broadcast %shift_right_logical3A_32 : i32 to vector<16xi32>
      %shift_right_logical3A_34 = arith.shrui %get3A_31, %shift_right_logical3A_33 : vector<16xi32>
      %and3A_35 = arith.constant 127 : i32
      %and3A_36 = vector.broadcast %and3A_35 : i32 to vector<16xi32>
      %and3A_37 = arith.andi %get3A_31, %and3A_36 : vector<16xi32>
      tpu.vector_store_idx %arg6[%shift_right_logical3A_34, %and3A_37], %broadcast_in_dim3A_0 {add = true} : memref<80x128xf32, #tpu.memory_space<vmem>>[vector<16xi32>, vector<16xi32>], vector<16xf32>,
      %get3A_38 = arith.index_cast %while3A_13 : i32 to index
      %get3A_39 = arith.constant 48 : index
      %get3A_40 = tpu.vector_load %arg5[%get3A_38, %get3A_39] {strides = array<i32>} : memref<160x128xi32, #tpu.memory_space<vmem>>, vector<16xi32>,
      %shift_right_logical3A_41 = arith.constant 7 : i32
      %shift_right_logical3A_42 = vector.broadcast %shift_right_logical3A_41 : i32 to vector<16xi32>
      %shift_right_logical3A_43 = arith.shrui %get3A_40, %shift_right_logical3A_42 : vector<16xi32>
      %and3A_44 = arith.constant 127 : i32
      %and3A_45 = vector.broadcast %and3A_44 : i32 to vector<16xi32>
      %and3A_46 = arith.andi %get3A_40, %and3A_45 : vector<16xi32>
      tpu.vector_store_idx %arg6[%shift_right_logical3A_43, %and3A_46], %broadcast_in_dim3A_0 {add = true} : memref<80x128xf32, #tpu.memory_space<vmem>>[vector<16xi32>, vector<16xi32>], vector<16xf32>,
      %get3A_47 = arith.index_cast %while3A_13 : i32 to index
      %get3A_48 = arith.constant 64 : index
      %get3A_49 = tpu.vector_load %arg5[%get3A_47, %get3A_48] {strides = array<i32>} : memref<160x128xi32, #tpu.memory_space<vmem>>, vector<16xi32>,
      %shift_right_logical3A_50 = arith.constant 7 : i32
      %shift_right_logical3A_51 = vector.broadcast %shift_right_logical3A_50 : i32 to vector<16xi32>
      %shift_right_logical3A_52 = arith.shrui %get3A_49, %shift_right_logical3A_51 : vector<16xi32>
      %and3A_53 = arith.constant 127 : i32
      %and3A_54 = vector.broadcast %and3A_53 : i32 to vector<16xi32>
      %and3A_55 = arith.andi %get3A_49, %and3A_54 : vector<16xi32>
      tpu.vector_store_idx %arg6[%shift_right_logical3A_52, %and3A_55], %broadcast_in_dim3A_0 {add = true} : memref<80x128xf32, #tpu.memory_space<vmem>>[vector<16xi32>, vector<16xi32>], vector<16xf32>,
      %get3A_56 = arith.index_cast %while3A_13 : i32 to index
      %get3A_57 = arith.constant 80 : index
      %get3A_58 = tpu.vector_load %arg5[%get3A_56, %get3A_57] {strides = array<i32>} : memref<160x128xi32, #tpu.memory_space<vmem>>, vector<16xi32>,
      %shift_right_logical3A_59 = arith.constant 7 : i32
      %shift_right_logical3A_60 = vector.broadcast %shift_right_logical3A_59 : i32 to vector<16xi32>
      %shift_right_logical3A_61 = arith.shrui %get3A_58, %shift_right_logical3A_60 : vector<16xi32>
      %and3A_62 = arith.constant 127 : i32
      %and3A_63 = vector.broadcast %and3A_62 : i32 to vector<16xi32>
      %and3A_64 = arith.andi %get3A_58, %and3A_63 : vector<16xi32>
      tpu.vector_store_idx %arg6[%shift_right_logical3A_61, %and3A_64], %broadcast_in_dim3A_0 {add = true} : memref<80x128xf32, #tpu.memory_space<vmem>>[vector<16xi32>, vector<16xi32>], vector<16xf32>,
      %get3A_65 = arith.index_cast %while3A_13 : i32 to index
      %get3A_66 = arith.constant 96 : index
      %get3A_67 = tpu.vector_load %arg5[%get3A_65, %get3A_66] {strides = array<i32>} : memref<160x128xi32, #tpu.memory_space<vmem>>, vector<16xi32>,
      %shift_right_logical3A_68 = arith.constant 7 : i32
      %shift_right_logical3A_69 = vector.broadcast %shift_right_logical3A_68 : i32 to vector<16xi32>
      %shift_right_logical3A_70 = arith.shrui %get3A_67, %shift_right_logical3A_69 : vector<16xi32>
      %and3A_71 = arith.constant 127 : i32
      %and3A_72 = vector.broadcast %and3A_71 : i32 to vector<16xi32>
      %and3A_73 = arith.andi %get3A_67, %and3A_72 : vector<16xi32>
      tpu.vector_store_idx %arg6[%shift_right_logical3A_70, %and3A_73], %broadcast_in_dim3A_0 {add = true} : memref<80x128xf32, #tpu.memory_space<vmem>>[vector<16xi32>, vector<16xi32>], vector<16xf32>,
      %get3A_74 = arith.index_cast %while3A_13 : i32 to index
      %get3A_75 = arith.constant 112 : index
      %get3A_76 = tpu.vector_load %arg5[%get3A_74, %get3A_75] {strides = array<i32>} : memref<160x128xi32, #tpu.memory_space<vmem>>, vector<16xi32>,
      %shift_right_logical3A_77 = arith.constant 7 : i32
      %shift_right_logical3A_78 = vector.broadcast %shift_right_logical3A_77 : i32 to vector<16xi32>
      %shift_right_logical3A_79 = arith.shrui %get3A_76, %shift_right_logical3A_78 : vector<16xi32>
      %and3A_80 = arith.constant 127 : i32
      %and3A_81 = vector.broadcast %and3A_80 : i32 to vector<16xi32>
      %and3A_82 = arith.andi %get3A_76, %and3A_81 : vector<16xi32>
      tpu.vector_store_idx %arg6[%shift_right_logical3A_79, %and3A_82], %broadcast_in_dim3A_0 {add = true} : memref<80x128xf32, #tpu.memory_space<vmem>>[vector<16xi32>, vector<16xi32>], vector<16xf32>,
    }
    %while3A_12 = arith.constant 1 : i32
    scf.for %while3A_13 = %while3A_10 to %while3A_6 step %while3A_12  : i32 {
      %get3A = arith.index_cast %while3A_13 : i32 to index
      %get3A_14 = arith.constant 0 : index
      %get3A_15 = tpu.vector_load %arg5[%get3A, %get3A_14] {strides = array<i32>} : memref<160x128xi32, #tpu.memory_space<vmem>>, vector<16xi32>,
      %shift_right_logical3A = arith.constant 7 : i32
      %shift_right_logical3A_16 = vector.broadcast %shift_right_logical3A : i32 to vector<16xi32>
      %shift_right_logical3A_17 = arith.shrui %get3A_15, %shift_right_logical3A_16 : vector<16xi32>
      %and3A = arith.constant 127 : i32
      %and3A_18 = vector.broadcast %and3A : i32 to vector<16xi32>
      %and3A_19 = arith.andi %get3A_15, %and3A_18 : vector<16xi32>
      tpu.vector_store_idx %arg6[%shift_right_logical3A_17, %and3A_19], %broadcast_in_dim3A_0 {add = true} : memref<80x128xf32, #tpu.memory_space<vmem>>[vector<16xi32>, vector<16xi32>], vector<16xf32>,
      %get3A_20 = arith.index_cast %while3A_13 : i32 to index
      %get3A_21 = arith.constant 16 : index
      %get3A_22 = tpu.vector_load %arg5[%get3A_20, %get3A_21] {strides = array<i32>} : memref<160x128xi32, #tpu.memory_space<vmem>>, vector<16xi32>,
      %shift_right_logical3A_23 = arith.constant 7 : i32
      %shift_right_logical3A_24 = vector.broadcast %shift_right_logical3A_23 : i32 to vector<16xi32>
      %shift_right_logical3A_25 = arith.shrui %get3A_22, %shift_right_logical3A_24 : vector<16xi32>
      %and3A_26 = arith.constant 127 : i32
      %and3A_27 = vector.broadcast %and3A_26 : i32 to vector<16xi32>
      %and3A_28 = arith.andi %get3A_22, %and3A_27 : vector<16xi32>
      tpu.vector_store_idx %arg6[%shift_right_logical3A_25, %and3A_28], %broadcast_in_dim3A_0 {add = true} : memref<80x128xf32, #tpu.memory_space<vmem>>[vector<16xi32>, vector<16xi32>], vector<16xf32>,
      %get3A_29 = arith.index_cast %while3A_13 : i32 to index
      %get3A_30 = arith.constant 32 : index
      %get3A_31 = tpu.vector_load %arg5[%get3A_29, %get3A_30] {strides = array<i32>} : memref<160x128xi32, #tpu.memory_space<vmem>>, vector<16xi32>,
      %shift_right_logical3A_32 = arith.constant 7 : i32
      %shift_right_logical3A_33 = vector.broadcast %shift_right_logical3A_32 : i32 to vector<16xi32>
      %shift_right_logical3A_34 = arith.shrui %get3A_31, %shift_right_logical3A_33 : vector<16xi32>
      %and3A_35 = arith.constant 127 : i32
      %and3A_36 = vector.broadcast %and3A_35 : i32 to vector<16xi32>
      %and3A_37 = arith.andi %get3A_31, %and3A_36 : vector<16xi32>
      tpu.vector_store_idx %arg6[%shift_right_logical3A_34, %and3A_37], %broadcast_in_dim3A_0 {add = true} : memref<80x128xf32, #tpu.memory_space<vmem>>[vector<16xi32>, vector<16xi32>], vector<16xf32>,
      %get3A_38 = arith.index_cast %while3A_13 : i32 to index
      %get3A_39 = arith.constant 48 : index
      %get3A_40 = tpu.vector_load %arg5[%get3A_38, %get3A_39] {strides = array<i32>} : memref<160x128xi32, #tpu.memory_space<vmem>>, vector<16xi32>,
      %shift_right_logical3A_41 = arith.constant 7 : i32
      %shift_right_logical3A_42 = vector.broadcast %shift_right_logical3A_41 : i32 to vector<16xi32>
      %shift_right_logical3A_43 = arith.shrui %get3A_40, %shift_right_logical3A_42 : vector<16xi32>
      %and3A_44 = arith.constant 127 : i32
      %and3A_45 = vector.broadcast %and3A_44 : i32 to vector<16xi32>
      %and3A_46 = arith.andi %get3A_40, %and3A_45 : vector<16xi32>
      tpu.vector_store_idx %arg6[%shift_right_logical3A_43, %and3A_46], %broadcast_in_dim3A_0 {add = true} : memref<80x128xf32, #tpu.memory_space<vmem>>[vector<16xi32>, vector<16xi32>], vector<16xf32>,
      %get3A_47 = arith.index_cast %while3A_13 : i32 to index
      %get3A_48 = arith.constant 64 : index
      %get3A_49 = tpu.vector_load %arg5[%get3A_47, %get3A_48] {strides = array<i32>} : memref<160x128xi32, #tpu.memory_space<vmem>>, vector<16xi32>,
      %shift_right_logical3A_50 = arith.constant 7 : i32
      %shift_right_logical3A_51 = vector.broadcast %shift_right_logical3A_50 : i32 to vector<16xi32>
      %shift_right_logical3A_52 = arith.shrui %get3A_49, %shift_right_logical3A_51 : vector<16xi32>
      %and3A_53 = arith.constant 127 : i32
      %and3A_54 = vector.broadcast %and3A_53 : i32 to vector<16xi32>
      %and3A_55 = arith.andi %get3A_49, %and3A_54 : vector<16xi32>
      tpu.vector_store_idx %arg6[%shift_right_logical3A_52, %and3A_55], %broadcast_in_dim3A_0 {add = true} : memref<80x128xf32, #tpu.memory_space<vmem>>[vector<16xi32>, vector<16xi32>], vector<16xf32>,
      %get3A_56 = arith.index_cast %while3A_13 : i32 to index
      %get3A_57 = arith.constant 80 : index
      %get3A_58 = tpu.vector_load %arg5[%get3A_56, %get3A_57] {strides = array<i32>} : memref<160x128xi32, #tpu.memory_space<vmem>>, vector<16xi32>,
      %shift_right_logical3A_59 = arith.constant 7 : i32
      %shift_right_logical3A_60 = vector.broadcast %shift_right_logical3A_59 : i32 to vector<16xi32>
      %shift_right_logical3A_61 = arith.shrui %get3A_58, %shift_right_logical3A_60 : vector<16xi32>
      %and3A_62 = arith.constant 127 : i32
      %and3A_63 = vector.broadcast %and3A_62 : i32 to vector<16xi32>
      %and3A_64 = arith.andi %get3A_58, %and3A_63 : vector<16xi32>
      tpu.vector_store_idx %arg6[%shift_right_logical3A_61, %and3A_64], %broadcast_in_dim3A_0 {add = true} : memref<80x128xf32, #tpu.memory_space<vmem>>[vector<16xi32>, vector<16xi32>], vector<16xf32>,
      %get3A_65 = arith.index_cast %while3A_13 : i32 to index
      %get3A_66 = arith.constant 96 : index
      %get3A_67 = tpu.vector_load %arg5[%get3A_65, %get3A_66] {strides = array<i32>} : memref<160x128xi32, #tpu.memory_space<vmem>>, vector<16xi32>,
      %shift_right_logical3A_68 = arith.constant 7 : i32
      %shift_right_logical3A_69 = vector.broadcast %shift_right_logical3A_68 : i32 to vector<16xi32>
      %shift_right_logical3A_70 = arith.shrui %get3A_67, %shift_right_logical3A_69 : vector<16xi32>
      %and3A_71 = arith.constant 127 : i32
      %and3A_72 = vector.broadcast %and3A_71 : i32 to vector<16xi32>
      %and3A_73 = arith.andi %get3A_67, %and3A_72 : vector<16xi32>
      tpu.vector_store_idx %arg6[%shift_right_logical3A_70, %and3A_73], %broadcast_in_dim3A_0 {add = true} : memref<80x128xf32, #tpu.memory_space<vmem>>[vector<16xi32>, vector<16xi32>], vector<16xf32>,
      %get3A_74 = arith.index_cast %while3A_13 : i32 to index
      %get3A_75 = arith.constant 112 : index
      %get3A_76 = tpu.vector_load %arg5[%get3A_74, %get3A_75] {strides = array<i32>} : memref<160x128xi32, #tpu.memory_space<vmem>>, vector<16xi32>,
      %shift_right_logical3A_77 = arith.constant 7 : i32
      %shift_right_logical3A_78 = vector.broadcast %shift_right_logical3A_77 : i32 to vector<16xi32>
      %shift_right_logical3A_79 = arith.shrui %get3A_76, %shift_right_logical3A_78 : vector<16xi32>
      %and3A_80 = arith.constant 127 : i32
      %and3A_81 = vector.broadcast %and3A_80 : i32 to vector<16xi32>
      %and3A_82 = arith.andi %get3A_76, %and3A_81 : vector<16xi32>
      tpu.vector_store_idx %arg6[%shift_right_logical3A_79, %and3A_82], %broadcast_in_dim3A_0 {add = true} : memref<80x128xf32, #tpu.memory_space<vmem>>[vector<16xi32>, vector<16xi32>], vector<16xf32>,
    }
    "tpu.region"() ({
      %run_scoped3A = tpu.sem_alloc : memref<!tpu.dma_semaphore, #tpu.memory_space<semaphore_mem>>
      %dma_start3A = arith.constant 0 : i32
      %dma_start3A_13 = arith.constant 0 : i32
      %dma_start3A_14 = tpu.memref_slice %arg4[%arg0, %arg1, %dma_start3A, %dma_start3A_13] : memref<2x16x80x128xf32, #tpu.memory_space<hbm>> -> memref<1x1x80x128xf32, #tpu.memory_space<hbm>>
      %dma_start3A_15 = tpu.memref_squeeze %dma_start3A_14 : memref<1x1x80x128xf32, #tpu.memory_space<hbm>> -> memref<80x128xf32, #tpu.memory_space<hbm>>
      %dma_start3A_16 = arith.constant 0 : i32
      %dma_start3A_17 = arith.constant 0 : i32
      %dma_start3A_18 = tpu.memref_slice %arg4[%arg0, %arg1, %dma_start3A_16, %dma_start3A_17] : memref<2x16x80x128xf32, #tpu.memory_space<hbm>> -> memref<1x1x80x128xf32, #tpu.memory_space<hbm>>
      %dma_start3A_19 = tpu.memref_squeeze %dma_start3A_18 : memref<1x1x80x128xf32, #tpu.memory_space<hbm>> -> memref<80x128xf32, #tpu.memory_space<hbm>>
      tpu.enqueue_dma source(%arg6 : memref<80x128xf32, #tpu.memory_space<vmem>>) target(%dma_start3A_19 : memref<80x128xf32, #tpu.memory_space<hbm>>) target_semaphore(%run_scoped3A : memref<!tpu.dma_semaphore, #tpu.memory_space<semaphore_mem>>)
      %dma_wait3A = arith.constant 0 : i32
      %dma_wait3A_20 = arith.constant 0 : i32
      %dma_wait3A_21 = tpu.memref_slice %arg4[%arg0, %arg1, %dma_wait3A, %dma_wait3A_20] : memref<2x16x80x128xf32, #tpu.memory_space<hbm>> -> memref<1x1x80x128xf32, #tpu.memory_space<hbm>>
      %dma_wait3A_22 = tpu.memref_squeeze %dma_wait3A_21 : memref<1x1x80x128xf32, #tpu.memory_space<hbm>> -> memref<80x128xf32, #tpu.memory_space<hbm>>
      %dma_wait3A_23 = arith.constant 0 : i32
      %dma_wait3A_24 = arith.constant 0 : i32
      %dma_wait3A_25 = tpu.memref_slice %arg4[%arg0, %arg1, %dma_wait3A_23, %dma_wait3A_24] : memref<2x16x80x128xf32, #tpu.memory_space<hbm>> -> memref<1x1x80x128xf32, #tpu.memory_space<hbm>>
      %dma_wait3A_26 = tpu.memref_squeeze %dma_wait3A_25 : memref<1x1x80x128xf32, #tpu.memory_space<hbm>> -> memref<80x128xf32, #tpu.memory_space<hbm>>
      tpu.wait_dma2 semaphore(%run_scoped3A : memref<!tpu.dma_semaphore, #tpu.memory_space<semaphore_mem>>) src(%arg6 : memref<80x128xf32, #tpu.memory_space<vmem>>) dst(%dma_wait3A_26 : memref<80x128xf32, #tpu.memory_space<hbm>>)
      tpu.yield
    }) : () -> ()
    return
  }
}

#map = affine_map<(d0, d1) -> (0, 0)>
#map1 = affine_map<(d0, d1) -> (0, 0, 0)>
module attributes {stable_mosaic.version = 14 : i64} {
  func.func @_agg(%arg0: i32, %arg1: i32, %arg2: memref<10000x128xf32, #tpu.memory_space<hbm>>, %arg3: memref<16x160x128xi32, #tpu.memory_space<hbm>>, %arg4: memref<16x160x128xi32, #tpu.memory_space<hbm>>, %arg5: memref<320x128xf32, #tpu.memory_space<hbm>>, %arg6: memref<2x5120x128xf32, #tpu.memory_space<hbm>>, %arg7: memref<160x128xi32, #tpu.memory_space<vmem>>, %arg8: memref<160x128xi32, #tpu.memory_space<vmem>>, %arg9: memref<128x128xf32, #tpu.memory_space<vmem>>, %arg10: memref<128x128xf32, #tpu.memory_space<vmem>>, %arg11: memref<5128x128xf32, #tpu.memory_space<vmem_shared>>, %arg12: memref<!tpu.dma_semaphore, #tpu.memory_space<semaphore_mem>>, %arg13: memref<!tpu.dma_semaphore, #tpu.memory_space<semaphore_mem>>) attributes {dimension_semantics = [#tpu.dimension_semantics<core_parallel>, #tpu.dimension_semantics<subcore_parallel>], iteration_bounds = array<i64: 2, 16>, scalar_prefetch = 0 : i64, scratch_operands = 7 : i64, tpu.core_type = #tpu.core_type<sc_vector_subcore>, window_params = [{transform_indices = #map}, {transform_indices = #map1}, {transform_indices = #map1}, {transform_indices = #map}, {transform_indices = #map1}]} {
    %scan3A = arith.constant 0 : i32
    %scan3A_0 = arith.constant 0 : i32
    %scan3A_1 = arith.constant 10 : i32
    %scan3A_2 = arith.addi %scan3A_0, %scan3A_1 : i32
    %scan3A_3 = arith.constant 1 : i32
    scf.for %scan3A_40 = %scan3A_0 to %scan3A_2 step %scan3A_3  : i32 {
      %mul3A_41 = arith.constant 16 : i32
      %mul3A_42 = arith.muli %scan3A_40, %mul3A_41 : i32
      %mul3A_43 = arith.constant 16 : i32
      %mul3A_44 = arith.muli %scan3A_40, %mul3A_43 : i32
      "tpu.region"() ({
        %run_scoped3A = tpu.sem_alloc : memref<!tpu.dma_semaphore, #tpu.memory_space<semaphore_mem>>
        %dma_start3A_49 = arith.constant 0 : i32
        %dma_start3A_50 = tpu.memref_slice %arg7[%mul3A_44, %dma_start3A_49] : memref<160x128xi32, #tpu.memory_space<vmem>> -> memref<16x128xi32, #tpu.memory_space<vmem>>
        %dma_start3A_51 = arith.constant 0 : i32
        %dma_start3A_52 = tpu.memref_slice %arg3[%arg1, %mul3A_42, %dma_start3A_51] : memref<16x160x128xi32, #tpu.memory_space<hbm>> -> memref<1x16x128xi32, #tpu.memory_space<hbm>>
        %dma_start3A_53 = tpu.memref_squeeze %dma_start3A_52 : memref<1x16x128xi32, #tpu.memory_space<hbm>> -> memref<16x128xi32, #tpu.memory_space<hbm>>
        %dma_start3A_54 = arith.constant 0 : i32
        %dma_start3A_55 = tpu.memref_slice %arg7[%mul3A_44, %dma_start3A_54] : memref<160x128xi32, #tpu.memory_space<vmem>> -> memref<16x128xi32, #tpu.memory_space<vmem>>
        %dma_start3A_56 = arith.constant 0 : i32
        %dma_start3A_57 = tpu.memref_slice %arg3[%arg1, %mul3A_42, %dma_start3A_56] : memref<16x160x128xi32, #tpu.memory_space<hbm>> -> memref<1x16x128xi32, #tpu.memory_space<hbm>>
        %dma_start3A_58 = tpu.memref_squeeze %dma_start3A_57 : memref<1x16x128xi32, #tpu.memory_space<hbm>> -> memref<16x128xi32, #tpu.memory_space<hbm>>
        tpu.enqueue_dma source(%dma_start3A_58 : memref<16x128xi32, #tpu.memory_space<hbm>>) target(%dma_start3A_55 : memref<16x128xi32, #tpu.memory_space<vmem>>) target_semaphore(%run_scoped3A : memref<!tpu.dma_semaphore, #tpu.memory_space<semaphore_mem>>)
        %dma_wait3A = arith.constant 0 : i32
        %dma_wait3A_59 = tpu.memref_slice %arg7[%mul3A_44, %dma_wait3A] : memref<160x128xi32, #tpu.memory_space<vmem>> -> memref<16x128xi32, #tpu.memory_space<vmem>>
        %dma_wait3A_60 = arith.constant 0 : i32
        %dma_wait3A_61 = tpu.memref_slice %arg3[%arg1, %mul3A_42, %dma_wait3A_60] : memref<16x160x128xi32, #tpu.memory_space<hbm>> -> memref<1x16x128xi32, #tpu.memory_space<hbm>>
        %dma_wait3A_62 = tpu.memref_squeeze %dma_wait3A_61 : memref<1x16x128xi32, #tpu.memory_space<hbm>> -> memref<16x128xi32, #tpu.memory_space<hbm>>
        %dma_wait3A_63 = arith.constant 0 : i32
        %dma_wait3A_64 = tpu.memref_slice %arg7[%mul3A_44, %dma_wait3A_63] : memref<160x128xi32, #tpu.memory_space<vmem>> -> memref<16x128xi32, #tpu.memory_space<vmem>>
        %dma_wait3A_65 = arith.constant 0 : i32
        %dma_wait3A_66 = tpu.memref_slice %arg3[%arg1, %mul3A_42, %dma_wait3A_65] : memref<16x160x128xi32, #tpu.memory_space<hbm>> -> memref<1x16x128xi32, #tpu.memory_space<hbm>>
        %dma_wait3A_67 = tpu.memref_squeeze %dma_wait3A_66 : memref<1x16x128xi32, #tpu.memory_space<hbm>> -> memref<16x128xi32, #tpu.memory_space<hbm>>
        tpu.wait_dma2 semaphore(%run_scoped3A : memref<!tpu.dma_semaphore, #tpu.memory_space<semaphore_mem>>) src(%dma_wait3A_67 : memref<16x128xi32, #tpu.memory_space<hbm>>) dst(%dma_wait3A_64 : memref<16x128xi32, #tpu.memory_space<vmem>>)
        tpu.yield
      }) : () -> ()
      %mul3A_45 = arith.constant 16 : i32
      %mul3A_46 = arith.muli %scan3A_40, %mul3A_45 : i32
      %mul3A_47 = arith.constant 16 : i32
      %mul3A_48 = arith.muli %scan3A_40, %mul3A_47 : i32
      "tpu.region"() ({
        %run_scoped3A = tpu.sem_alloc : memref<!tpu.dma_semaphore, #tpu.memory_space<semaphore_mem>>
        %dma_start3A_49 = arith.constant 0 : i32
        %dma_start3A_50 = tpu.memref_slice %arg8[%mul3A_48, %dma_start3A_49] : memref<160x128xi32, #tpu.memory_space<vmem>> -> memref<16x128xi32, #tpu.memory_space<vmem>>
        %dma_start3A_51 = arith.constant 0 : i32
        %dma_start3A_52 = tpu.memref_slice %arg4[%arg1, %mul3A_46, %dma_start3A_51] : memref<16x160x128xi32, #tpu.memory_space<hbm>> -> memref<1x16x128xi32, #tpu.memory_space<hbm>>
        %dma_start3A_53 = tpu.memref_squeeze %dma_start3A_52 : memref<1x16x128xi32, #tpu.memory_space<hbm>> -> memref<16x128xi32, #tpu.memory_space<hbm>>
        %dma_start3A_54 = arith.constant 0 : i32
        %dma_start3A_55 = tpu.memref_slice %arg8[%mul3A_48, %dma_start3A_54] : memref<160x128xi32, #tpu.memory_space<vmem>> -> memref<16x128xi32, #tpu.memory_space<vmem>>
        %dma_start3A_56 = arith.constant 0 : i32
        %dma_start3A_57 = tpu.memref_slice %arg4[%arg1, %mul3A_46, %dma_start3A_56] : memref<16x160x128xi32, #tpu.memory_space<hbm>> -> memref<1x16x128xi32, #tpu.memory_space<hbm>>
        %dma_start3A_58 = tpu.memref_squeeze %dma_start3A_57 : memref<1x16x128xi32, #tpu.memory_space<hbm>> -> memref<16x128xi32, #tpu.memory_space<hbm>>
        tpu.enqueue_dma source(%dma_start3A_58 : memref<16x128xi32, #tpu.memory_space<hbm>>) target(%dma_start3A_55 : memref<16x128xi32, #tpu.memory_space<vmem>>) target_semaphore(%run_scoped3A : memref<!tpu.dma_semaphore, #tpu.memory_space<semaphore_mem>>)
        %dma_wait3A = arith.constant 0 : i32
        %dma_wait3A_59 = tpu.memref_slice %arg8[%mul3A_48, %dma_wait3A] : memref<160x128xi32, #tpu.memory_space<vmem>> -> memref<16x128xi32, #tpu.memory_space<vmem>>
        %dma_wait3A_60 = arith.constant 0 : i32
        %dma_wait3A_61 = tpu.memref_slice %arg4[%arg1, %mul3A_46, %dma_wait3A_60] : memref<16x160x128xi32, #tpu.memory_space<hbm>> -> memref<1x16x128xi32, #tpu.memory_space<hbm>>
        %dma_wait3A_62 = tpu.memref_squeeze %dma_wait3A_61 : memref<1x16x128xi32, #tpu.memory_space<hbm>> -> memref<16x128xi32, #tpu.memory_space<hbm>>
        %dma_wait3A_63 = arith.constant 0 : i32
        %dma_wait3A_64 = tpu.memref_slice %arg8[%mul3A_48, %dma_wait3A_63] : memref<160x128xi32, #tpu.memory_space<vmem>> -> memref<16x128xi32, #tpu.memory_space<vmem>>
        %dma_wait3A_65 = arith.constant 0 : i32
        %dma_wait3A_66 = tpu.memref_slice %arg4[%arg1, %mul3A_46, %dma_wait3A_65] : memref<16x160x128xi32, #tpu.memory_space<hbm>> -> memref<1x16x128xi32, #tpu.memory_space<hbm>>
        %dma_wait3A_67 = tpu.memref_squeeze %dma_wait3A_66 : memref<1x16x128xi32, #tpu.memory_space<hbm>> -> memref<16x128xi32, #tpu.memory_space<hbm>>
        tpu.wait_dma2 semaphore(%run_scoped3A : memref<!tpu.dma_semaphore, #tpu.memory_space<semaphore_mem>>) src(%dma_wait3A_67 : memref<16x128xi32, #tpu.memory_space<hbm>>) dst(%dma_wait3A_64 : memref<16x128xi32, #tpu.memory_space<vmem>>)
        tpu.yield
      }) : () -> ()
    }
    %scan3A_4 = arith.constant 10 : i32
    %mul3A = arith.constant 320 : i32
    %mul3A_5 = arith.muli %arg1, %mul3A : i32
    "tpu.region"() ({
      %run_scoped3A = tpu.sem_alloc : memref<!tpu.dma_semaphore, #tpu.memory_space<semaphore_mem>>
      %dma_start3A_40 = arith.constant 0 : i32
      %dma_start3A_41 = tpu.memref_slice %arg11[%mul3A_5, %dma_start3A_40] : memref<5128x128xf32, #tpu.memory_space<vmem_shared>> -> memref<320x128xf32, #tpu.memory_space<vmem_shared>>
      tpu.enqueue_dma source(%arg5 : memref<320x128xf32, #tpu.memory_space<hbm>>) target(%dma_start3A_41 : memref<320x128xf32, #tpu.memory_space<vmem_shared>>) target_semaphore(%run_scoped3A : memref<!tpu.dma_semaphore, #tpu.memory_space<semaphore_mem>>)
      %dma_wait3A = arith.constant 0 : i32
      %dma_wait3A_42 = tpu.memref_slice %arg11[%mul3A_5, %dma_wait3A] : memref<5128x128xf32, #tpu.memory_space<vmem_shared>> -> memref<320x128xf32, #tpu.memory_space<vmem_shared>>
      tpu.wait_dma2 semaphore(%run_scoped3A : memref<!tpu.dma_semaphore, #tpu.memory_space<semaphore_mem>>) src(%arg5 : memref<320x128xf32, #tpu.memory_space<hbm>>) dst(%dma_wait3A_42 : memref<320x128xf32, #tpu.memory_space<vmem_shared>>)
      tpu.yield
    }) : () -> ()
    %eq3A = arith.constant 0 : i32
    %eq3A_6 = arith.cmpi eq, %arg1, %eq3A : i32
    %convert_element_type3A = arith.extui %eq3A_6 : i1 to i32
    %cond3A = arith.constant 0 : i32
    %cond3A_7 = arith.cmpi ne, %convert_element_type3A, %cond3A : i32
    scf.if %cond3A_7 {
      "tpu.region"() ({
        %run_scoped3A = tpu.sem_alloc : memref<!tpu.dma_semaphore, #tpu.memory_space<semaphore_mem>>
        %dma_start3A_40 = arith.constant 5120 : i32
        %dma_start3A_41 = arith.constant 0 : i32
        %dma_start3A_42 = tpu.memref_slice %arg11[%dma_start3A_40, %dma_start3A_41] : memref<5128x128xf32, #tpu.memory_space<vmem_shared>> -> memref<8x128xf32, #tpu.memory_space<vmem_shared>>
        %dma_start3A_43 = arith.constant 0 : i32
        %dma_start3A_44 = arith.constant 0 : i32
        %dma_start3A_45 = tpu.memref_slice %arg5[%dma_start3A_43, %dma_start3A_44] : memref<320x128xf32, #tpu.memory_space<hbm>> -> memref<8x128xf32, #tpu.memory_space<hbm>>
        tpu.enqueue_dma source(%dma_start3A_45 : memref<8x128xf32, #tpu.memory_space<hbm>>) target(%dma_start3A_42 : memref<8x128xf32, #tpu.memory_space<vmem_shared>>) target_semaphore(%run_scoped3A : memref<!tpu.dma_semaphore, #tpu.memory_space<semaphore_mem>>)
        %dma_wait3A = arith.constant 5120 : i32
        %dma_wait3A_46 = arith.constant 0 : i32
        %dma_wait3A_47 = tpu.memref_slice %arg11[%dma_wait3A, %dma_wait3A_46] : memref<5128x128xf32, #tpu.memory_space<vmem_shared>> -> memref<8x128xf32, #tpu.memory_space<vmem_shared>>
        %dma_wait3A_48 = arith.constant 0 : i32
        %dma_wait3A_49 = arith.constant 0 : i32
        %dma_wait3A_50 = tpu.memref_slice %arg5[%dma_wait3A_48, %dma_wait3A_49] : memref<320x128xf32, #tpu.memory_space<hbm>> -> memref<8x128xf32, #tpu.memory_space<hbm>>
        tpu.wait_dma2 semaphore(%run_scoped3A : memref<!tpu.dma_semaphore, #tpu.memory_space<semaphore_mem>>) src(%dma_wait3A_50 : memref<8x128xf32, #tpu.memory_space<hbm>>) dst(%dma_wait3A_47 : memref<8x128xf32, #tpu.memory_space<vmem_shared>>)
        tpu.yield
      }) : () -> ()
    } else {
    }
    %mul3A_8 = arith.constant 5120 : i32
    %mul3A_9 = arith.muli %arg0, %mul3A_8 : i32
    %scan3A_10 = arith.constant 0 : i32
    %scan3A_11 = arith.constant 0 : i32
    %scan3A_12 = arith.constant 160 : i32
    %scan3A_13 = arith.addi %scan3A_11, %scan3A_12 : i32
    %scan3A_14 = arith.constant 1 : i32
    scf.for %scan3A_40 = %scan3A_11 to %scan3A_13 step %scan3A_14  : i32 {
      %get3A = arith.index_cast %scan3A_40 : i32 to index
      %get3A_41 = arith.constant 0 : index
      %get3A_42 = tpu.vector_load %arg8[%get3A, %get3A_41] {strides = array<i32>} : memref<160x128xi32, #tpu.memory_space<vmem>>, vector<16xi32>,
      %sub3A = vector.broadcast %mul3A_9 : i32 to vector<16xi32>
      %sub3A_43 = arith.subi %get3A_42, %sub3A : vector<16xi32>
      %ge3A = arith.constant 0 : i32
      %ge3A_44 = vector.broadcast %ge3A : i32 to vector<16xi32>
      %ge3A_45 = arith.cmpi sge, %sub3A_43, %ge3A_44 : vector<16xi32>
      %lt3A = arith.constant 5120 : i32
      %lt3A_46 = vector.broadcast %lt3A : i32 to vector<16xi32>
      %lt3A_47 = arith.cmpi slt, %sub3A_43, %lt3A_46 : vector<16xi32>
      %and3A = arith.andi %ge3A_45, %lt3A_47 : vector<16xi1>
      %jit3A = arith.constant 5120 : i32
      %broadcast_in_dim3A = vector.broadcast %jit3A : i32 to vector<16xi32>
      %select_n3A = arith.select %and3A, %sub3A_43, %broadcast_in_dim3A : vector<16xi1>, vector<16xi32>
      %swap3A = arith.index_cast %scan3A_40 : i32 to index
      %swap3A_48 = arith.constant 0 : index
      %swap3A_49 = tpu.vector_load %arg8[%swap3A, %swap3A_48] {strides = array<i32>} : memref<160x128xi32, #tpu.memory_space<vmem>>, vector<16xi32>,
      tpu.vector_store %arg8[%swap3A, %swap3A_48], %select_n3A {strides = array<i32>} : memref<160x128xi32, #tpu.memory_space<vmem>>, vector<16xi32>,
      %get3A_50 = arith.index_cast %scan3A_40 : i32 to index
      %get3A_51 = arith.constant 16 : index
      %get3A_52 = tpu.vector_load %arg8[%get3A_50, %get3A_51] {strides = array<i32>} : memref<160x128xi32, #tpu.memory_space<vmem>>, vector<16xi32>,
      %sub3A_53 = vector.broadcast %mul3A_9 : i32 to vector<16xi32>
      %sub3A_54 = arith.subi %get3A_52, %sub3A_53 : vector<16xi32>
      %ge3A_55 = arith.constant 0 : i32
      %ge3A_56 = vector.broadcast %ge3A_55 : i32 to vector<16xi32>
      %ge3A_57 = arith.cmpi sge, %sub3A_54, %ge3A_56 : vector<16xi32>
      %lt3A_58 = arith.constant 5120 : i32
      %lt3A_59 = vector.broadcast %lt3A_58 : i32 to vector<16xi32>
      %lt3A_60 = arith.cmpi slt, %sub3A_54, %lt3A_59 : vector<16xi32>
      %and3A_61 = arith.andi %ge3A_57, %lt3A_60 : vector<16xi1>
      %jit3A_62 = arith.constant 5120 : i32
      %broadcast_in_dim3A_63 = vector.broadcast %jit3A_62 : i32 to vector<16xi32>
      %select_n3A_64 = arith.select %and3A_61, %sub3A_54, %broadcast_in_dim3A_63 : vector<16xi1>, vector<16xi32>
      %swap3A_65 = arith.index_cast %scan3A_40 : i32 to index
      %swap3A_66 = arith.constant 16 : index
      %swap3A_67 = tpu.vector_load %arg8[%swap3A_65, %swap3A_66] {strides = array<i32>} : memref<160x128xi32, #tpu.memory_space<vmem>>, vector<16xi32>,
      tpu.vector_store %arg8[%swap3A_65, %swap3A_66], %select_n3A_64 {strides = array<i32>} : memref<160x128xi32, #tpu.memory_space<vmem>>, vector<16xi32>,
      %get3A_68 = arith.index_cast %scan3A_40 : i32 to index
      %get3A_69 = arith.constant 32 : index
      %get3A_70 = tpu.vector_load %arg8[%get3A_68, %get3A_69] {strides = array<i32>} : memref<160x128xi32, #tpu.memory_space<vmem>>, vector<16xi32>,
      %sub3A_71 = vector.broadcast %mul3A_9 : i32 to vector<16xi32>
      %sub3A_72 = arith.subi %get3A_70, %sub3A_71 : vector<16xi32>
      %ge3A_73 = arith.constant 0 : i32
      %ge3A_74 = vector.broadcast %ge3A_73 : i32 to vector<16xi32>
      %ge3A_75 = arith.cmpi sge, %sub3A_72, %ge3A_74 : vector<16xi32>
      %lt3A_76 = arith.constant 5120 : i32
      %lt3A_77 = vector.broadcast %lt3A_76 : i32 to vector<16xi32>
      %lt3A_78 = arith.cmpi slt, %sub3A_72, %lt3A_77 : vector<16xi32>
      %and3A_79 = arith.andi %ge3A_75, %lt3A_78 : vector<16xi1>
      %jit3A_80 = arith.constant 5120 : i32
      %broadcast_in_dim3A_81 = vector.broadcast %jit3A_80 : i32 to vector<16xi32>
      %select_n3A_82 = arith.select %and3A_79, %sub3A_72, %broadcast_in_dim3A_81 : vector<16xi1>, vector<16xi32>
      %swap3A_83 = arith.index_cast %scan3A_40 : i32 to index
      %swap3A_84 = arith.constant 32 : index
      %swap3A_85 = tpu.vector_load %arg8[%swap3A_83, %swap3A_84] {strides = array<i32>} : memref<160x128xi32, #tpu.memory_space<vmem>>, vector<16xi32>,
      tpu.vector_store %arg8[%swap3A_83, %swap3A_84], %select_n3A_82 {strides = array<i32>} : memref<160x128xi32, #tpu.memory_space<vmem>>, vector<16xi32>,
      %get3A_86 = arith.index_cast %scan3A_40 : i32 to index
      %get3A_87 = arith.constant 48 : index
      %get3A_88 = tpu.vector_load %arg8[%get3A_86, %get3A_87] {strides = array<i32>} : memref<160x128xi32, #tpu.memory_space<vmem>>, vector<16xi32>,
      %sub3A_89 = vector.broadcast %mul3A_9 : i32 to vector<16xi32>
      %sub3A_90 = arith.subi %get3A_88, %sub3A_89 : vector<16xi32>
      %ge3A_91 = arith.constant 0 : i32
      %ge3A_92 = vector.broadcast %ge3A_91 : i32 to vector<16xi32>
      %ge3A_93 = arith.cmpi sge, %sub3A_90, %ge3A_92 : vector<16xi32>
      %lt3A_94 = arith.constant 5120 : i32
      %lt3A_95 = vector.broadcast %lt3A_94 : i32 to vector<16xi32>
      %lt3A_96 = arith.cmpi slt, %sub3A_90, %lt3A_95 : vector<16xi32>
      %and3A_97 = arith.andi %ge3A_93, %lt3A_96 : vector<16xi1>
      %jit3A_98 = arith.constant 5120 : i32
      %broadcast_in_dim3A_99 = vector.broadcast %jit3A_98 : i32 to vector<16xi32>
      %select_n3A_100 = arith.select %and3A_97, %sub3A_90, %broadcast_in_dim3A_99 : vector<16xi1>, vector<16xi32>
      %swap3A_101 = arith.index_cast %scan3A_40 : i32 to index
      %swap3A_102 = arith.constant 48 : index
      %swap3A_103 = tpu.vector_load %arg8[%swap3A_101, %swap3A_102] {strides = array<i32>} : memref<160x128xi32, #tpu.memory_space<vmem>>, vector<16xi32>,
      tpu.vector_store %arg8[%swap3A_101, %swap3A_102], %select_n3A_100 {strides = array<i32>} : memref<160x128xi32, #tpu.memory_space<vmem>>, vector<16xi32>,
      %get3A_104 = arith.index_cast %scan3A_40 : i32 to index
      %get3A_105 = arith.constant 64 : index
      %get3A_106 = tpu.vector_load %arg8[%get3A_104, %get3A_105] {strides = array<i32>} : memref<160x128xi32, #tpu.memory_space<vmem>>, vector<16xi32>,
      %sub3A_107 = vector.broadcast %mul3A_9 : i32 to vector<16xi32>
      %sub3A_108 = arith.subi %get3A_106, %sub3A_107 : vector<16xi32>
      %ge3A_109 = arith.constant 0 : i32
      %ge3A_110 = vector.broadcast %ge3A_109 : i32 to vector<16xi32>
      %ge3A_111 = arith.cmpi sge, %sub3A_108, %ge3A_110 : vector<16xi32>
      %lt3A_112 = arith.constant 5120 : i32
      %lt3A_113 = vector.broadcast %lt3A_112 : i32 to vector<16xi32>
      %lt3A_114 = arith.cmpi slt, %sub3A_108, %lt3A_113 : vector<16xi32>
      %and3A_115 = arith.andi %ge3A_111, %lt3A_114 : vector<16xi1>
      %jit3A_116 = arith.constant 5120 : i32
      %broadcast_in_dim3A_117 = vector.broadcast %jit3A_116 : i32 to vector<16xi32>
      %select_n3A_118 = arith.select %and3A_115, %sub3A_108, %broadcast_in_dim3A_117 : vector<16xi1>, vector<16xi32>
      %swap3A_119 = arith.index_cast %scan3A_40 : i32 to index
      %swap3A_120 = arith.constant 64 : index
      %swap3A_121 = tpu.vector_load %arg8[%swap3A_119, %swap3A_120] {strides = array<i32>} : memref<160x128xi32, #tpu.memory_space<vmem>>, vector<16xi32>,
      tpu.vector_store %arg8[%swap3A_119, %swap3A_120], %select_n3A_118 {strides = array<i32>} : memref<160x128xi32, #tpu.memory_space<vmem>>, vector<16xi32>,
      %get3A_122 = arith.index_cast %scan3A_40 : i32 to index
      %get3A_123 = arith.constant 80 : index
      %get3A_124 = tpu.vector_load %arg8[%get3A_122, %get3A_123] {strides = array<i32>} : memref<160x128xi32, #tpu.memory_space<vmem>>, vector<16xi32>,
      %sub3A_125 = vector.broadcast %mul3A_9 : i32 to vector<16xi32>
      %sub3A_126 = arith.subi %get3A_124, %sub3A_125 : vector<16xi32>
      %ge3A_127 = arith.constant 0 : i32
      %ge3A_128 = vector.broadcast %ge3A_127 : i32 to vector<16xi32>
      %ge3A_129 = arith.cmpi sge, %sub3A_126, %ge3A_128 : vector<16xi32>
      %lt3A_130 = arith.constant 5120 : i32
      %lt3A_131 = vector.broadcast %lt3A_130 : i32 to vector<16xi32>
      %lt3A_132 = arith.cmpi slt, %sub3A_126, %lt3A_131 : vector<16xi32>
      %and3A_133 = arith.andi %ge3A_129, %lt3A_132 : vector<16xi1>
      %jit3A_134 = arith.constant 5120 : i32
      %broadcast_in_dim3A_135 = vector.broadcast %jit3A_134 : i32 to vector<16xi32>
      %select_n3A_136 = arith.select %and3A_133, %sub3A_126, %broadcast_in_dim3A_135 : vector<16xi1>, vector<16xi32>
      %swap3A_137 = arith.index_cast %scan3A_40 : i32 to index
      %swap3A_138 = arith.constant 80 : index
      %swap3A_139 = tpu.vector_load %arg8[%swap3A_137, %swap3A_138] {strides = array<i32>} : memref<160x128xi32, #tpu.memory_space<vmem>>, vector<16xi32>,
      tpu.vector_store %arg8[%swap3A_137, %swap3A_138], %select_n3A_136 {strides = array<i32>} : memref<160x128xi32, #tpu.memory_space<vmem>>, vector<16xi32>,
      %get3A_140 = arith.index_cast %scan3A_40 : i32 to index
      %get3A_141 = arith.constant 96 : index
      %get3A_142 = tpu.vector_load %arg8[%get3A_140, %get3A_141] {strides = array<i32>} : memref<160x128xi32, #tpu.memory_space<vmem>>, vector<16xi32>,
      %sub3A_143 = vector.broadcast %mul3A_9 : i32 to vector<16xi32>
      %sub3A_144 = arith.subi %get3A_142, %sub3A_143 : vector<16xi32>
      %ge3A_145 = arith.constant 0 : i32
      %ge3A_146 = vector.broadcast %ge3A_145 : i32 to vector<16xi32>
      %ge3A_147 = arith.cmpi sge, %sub3A_144, %ge3A_146 : vector<16xi32>
      %lt3A_148 = arith.constant 5120 : i32
      %lt3A_149 = vector.broadcast %lt3A_148 : i32 to vector<16xi32>
      %lt3A_150 = arith.cmpi slt, %sub3A_144, %lt3A_149 : vector<16xi32>
      %and3A_151 = arith.andi %ge3A_147, %lt3A_150 : vector<16xi1>
      %jit3A_152 = arith.constant 5120 : i32
      %broadcast_in_dim3A_153 = vector.broadcast %jit3A_152 : i32 to vector<16xi32>
      %select_n3A_154 = arith.select %and3A_151, %sub3A_144, %broadcast_in_dim3A_153 : vector<16xi1>, vector<16xi32>
      %swap3A_155 = arith.index_cast %scan3A_40 : i32 to index
      %swap3A_156 = arith.constant 96 : index
      %swap3A_157 = tpu.vector_load %arg8[%swap3A_155, %swap3A_156] {strides = array<i32>} : memref<160x128xi32, #tpu.memory_space<vmem>>, vector<16xi32>,
      tpu.vector_store %arg8[%swap3A_155, %swap3A_156], %select_n3A_154 {strides = array<i32>} : memref<160x128xi32, #tpu.memory_space<vmem>>, vector<16xi32>,
      %get3A_158 = arith.index_cast %scan3A_40 : i32 to index
      %get3A_159 = arith.constant 112 : index
      %get3A_160 = tpu.vector_load %arg8[%get3A_158, %get3A_159] {strides = array<i32>} : memref<160x128xi32, #tpu.memory_space<vmem>>, vector<16xi32>,
      %sub3A_161 = vector.broadcast %mul3A_9 : i32 to vector<16xi32>
      %sub3A_162 = arith.subi %get3A_160, %sub3A_161 : vector<16xi32>
      %ge3A_163 = arith.constant 0 : i32
      %ge3A_164 = vector.broadcast %ge3A_163 : i32 to vector<16xi32>
      %ge3A_165 = arith.cmpi sge, %sub3A_162, %ge3A_164 : vector<16xi32>
      %lt3A_166 = arith.constant 5120 : i32
      %lt3A_167 = vector.broadcast %lt3A_166 : i32 to vector<16xi32>
      %lt3A_168 = arith.cmpi slt, %sub3A_162, %lt3A_167 : vector<16xi32>
      %and3A_169 = arith.andi %ge3A_165, %lt3A_168 : vector<16xi1>
      %jit3A_170 = arith.constant 5120 : i32
      %broadcast_in_dim3A_171 = vector.broadcast %jit3A_170 : i32 to vector<16xi32>
      %select_n3A_172 = arith.select %and3A_169, %sub3A_162, %broadcast_in_dim3A_171 : vector<16xi1>, vector<16xi32>
      %swap3A_173 = arith.index_cast %scan3A_40 : i32 to index
      %swap3A_174 = arith.constant 112 : index
      %swap3A_175 = tpu.vector_load %arg8[%swap3A_173, %swap3A_174] {strides = array<i32>} : memref<160x128xi32, #tpu.memory_space<vmem>>, vector<16xi32>,
      tpu.vector_store %arg8[%swap3A_173, %swap3A_174], %select_n3A_172 {strides = array<i32>} : memref<160x128xi32, #tpu.memory_space<vmem>>, vector<16xi32>,
    }
    %scan3A_15 = arith.constant 160 : i32
    %barrier3A = arith.constant 0 : index
    tpu.barrier barrier_id(%barrier3A)
    %dma_start3A = arith.constant 0 : i32
    %dma_start3A_16 = arith.constant 0 : i32
    %dma_start3A_17 = tpu.memref_slice %arg7[%dma_start3A, %dma_start3A_16] : memref<160x128xi32, #tpu.memory_space<vmem>> -> memref<1x128xi32, #tpu.memory_space<vmem>>
    %dma_start3A_18 = tpu.memref_squeeze %dma_start3A_17 : memref<1x128xi32, #tpu.memory_space<vmem>> -> memref<128xi32, #tpu.memory_space<vmem>>
    %dma_start3A_19 = arith.constant 0 : i32
    %dma_start3A_20 = arith.constant 0 : i32
    %dma_start3A_21 = tpu.memref_slice %arg2[%dma_start3A_19, %dma_start3A_20] : memref<10000x128xf32, #tpu.memory_space<hbm>> -> memref<10000x128xf32, #tpu.memory_space<hbm>>
    tpu.enqueue_indirect_dma source(%dma_start3A_21 : memref<10000x128xf32, #tpu.memory_space<hbm>>) target(%arg9 : memref<128x128xf32, #tpu.memory_space<vmem>>) offsets(%dma_start3A_18 : memref<128xi32, #tpu.memory_space<vmem>>) semaphore(%arg12 : memref<!tpu.dma_semaphore, #tpu.memory_space<semaphore_mem>>)
    %dma_start3A_22 = arith.constant 1 : i32
    %dma_start3A_23 = arith.constant 0 : i32
    %dma_start3A_24 = tpu.memref_slice %arg7[%dma_start3A_22, %dma_start3A_23] : memref<160x128xi32, #tpu.memory_space<vmem>> -> memref<1x128xi32, #tpu.memory_space<vmem>>
    %dma_start3A_25 = tpu.memref_squeeze %dma_start3A_24 : memref<1x128xi32, #tpu.memory_space<vmem>> -> memref<128xi32, #tpu.memory_space<vmem>>
    %dma_start3A_26 = arith.constant 0 : i32
    %dma_start3A_27 = arith.constant 0 : i32
    %dma_start3A_28 = tpu.memref_slice %arg2[%dma_start3A_26, %dma_start3A_27] : memref<10000x128xf32, #tpu.memory_space<hbm>> -> memref<10000x128xf32, #tpu.memory_space<hbm>>
    tpu.enqueue_indirect_dma source(%dma_start3A_28 : memref<10000x128xf32, #tpu.memory_space<hbm>>) target(%arg10 : memref<128x128xf32, #tpu.memory_space<vmem>>) offsets(%dma_start3A_25 : memref<128xi32, #tpu.memory_space<vmem>>) semaphore(%arg13 : memref<!tpu.dma_semaphore, #tpu.memory_space<semaphore_mem>>)
    %scan3A_29 = arith.constant 0 : i32
    %scan3A_30 = arith.constant 0 : i32
    %scan3A_31 = arith.constant 80 : i32
    %scan3A_32 = arith.addi %scan3A_30, %scan3A_31 : i32
    %scan3A_33 = arith.constant 1 : i32
    scf.for %scan3A_40 = %scan3A_30 to %scan3A_32 step %scan3A_33  : i32 {
      %mul3A_41 = arith.constant 2 : i32
      %mul3A_42 = arith.muli %scan3A_40, %mul3A_41 : i32
      %add3A = arith.constant 0 : i32
      %add3A_43 = arith.addi %mul3A_42, %add3A : i32
      %dma_wait3A = arith.constant 0 : i32
      %dma_wait3A_44 = tpu.memref_slice %arg7[%add3A_43, %dma_wait3A] : memref<160x128xi32, #tpu.memory_space<vmem>> -> memref<1x128xi32, #tpu.memory_space<vmem>>
      %dma_wait3A_45 = tpu.memref_squeeze %dma_wait3A_44 : memref<1x128xi32, #tpu.memory_space<vmem>> -> memref<128xi32, #tpu.memory_space<vmem>>
      %dma_wait3A_46 = arith.constant 0 : i32
      %dma_wait3A_47 = arith.constant 0 : i32
      %dma_wait3A_48 = tpu.memref_slice %arg2[%dma_wait3A_46, %dma_wait3A_47] : memref<10000x128xf32, #tpu.memory_space<hbm>> -> memref<10000x128xf32, #tpu.memory_space<hbm>>
      tpu.wait_indirect_dma semaphore(%arg12 : memref<!tpu.dma_semaphore, #tpu.memory_space<semaphore_mem>>) src(%dma_wait3A_48 : memref<10000x128xf32, #tpu.memory_space<hbm>>) dst(%arg9 : memref<128x128xf32, #tpu.memory_space<vmem>>)
      "tpu.region"() ({
        %run_scoped3A = tpu.sem_alloc : memref<!tpu.dma_semaphore, #tpu.memory_space<semaphore_mem>>
        %dma_start3A_68 = arith.constant 0 : i32
        %dma_start3A_69 = tpu.memref_slice %arg8[%add3A_43, %dma_start3A_68] : memref<160x128xi32, #tpu.memory_space<vmem>> -> memref<1x128xi32, #tpu.memory_space<vmem>>
        %dma_start3A_70 = tpu.memref_squeeze %dma_start3A_69 : memref<1x128xi32, #tpu.memory_space<vmem>> -> memref<128xi32, #tpu.memory_space<vmem>>
        %dma_start3A_71 = arith.constant 0 : i32
        %dma_start3A_72 = arith.constant 0 : i32
        %dma_start3A_73 = tpu.memref_slice %arg11[%dma_start3A_71, %dma_start3A_72] : memref<5128x128xf32, #tpu.memory_space<vmem_shared>> -> memref<5128x128xf32, #tpu.memory_space<vmem_shared>>
        tpu.enqueue_indirect_dma source(%arg9 : memref<128x128xf32, #tpu.memory_space<vmem>>) target(%dma_start3A_73 : memref<5128x128xf32, #tpu.memory_space<vmem_shared>>) offsets(%dma_start3A_70 : memref<128xi32, #tpu.memory_space<vmem>>) semaphore(%run_scoped3A : memref<!tpu.dma_semaphore, #tpu.memory_space<semaphore_mem>>) {add = true}
        %dma_wait3A_74 = arith.constant 0 : i32
        %dma_wait3A_75 = tpu.memref_slice %arg8[%add3A_43, %dma_wait3A_74] : memref<160x128xi32, #tpu.memory_space<vmem>> -> memref<1x128xi32, #tpu.memory_space<vmem>>
        %dma_wait3A_76 = tpu.memref_squeeze %dma_wait3A_75 : memref<1x128xi32, #tpu.memory_space<vmem>> -> memref<128xi32, #tpu.memory_space<vmem>>
        %dma_wait3A_77 = arith.constant 0 : i32
        %dma_wait3A_78 = arith.constant 0 : i32
        %dma_wait3A_79 = tpu.memref_slice %arg11[%dma_wait3A_77, %dma_wait3A_78] : memref<5128x128xf32, #tpu.memory_space<vmem_shared>> -> memref<5128x128xf32, #tpu.memory_space<vmem_shared>>
        tpu.wait_indirect_dma semaphore(%run_scoped3A : memref<!tpu.dma_semaphore, #tpu.memory_space<semaphore_mem>>) src(%arg9 : memref<128x128xf32, #tpu.memory_space<vmem>>) dst(%dma_wait3A_79 : memref<5128x128xf32, #tpu.memory_space<vmem_shared>>)
        tpu.yield
      }) : () -> ()
      %lt3A = arith.constant 79 : i32
      %lt3A_49 = arith.cmpi slt, %scan3A_40, %lt3A : i32
      %convert_element_type3A_50 = arith.extui %lt3A_49 : i1 to i32
      %cond3A_51 = arith.constant 0 : i32
      %cond3A_52 = arith.cmpi ne, %convert_element_type3A_50, %cond3A_51 : i32
      scf.if %cond3A_52 {
        %add3A_68 = arith.constant 2 : i32
        %add3A_69 = arith.addi %add3A_43, %add3A_68 : i32
        %dma_start3A_70 = arith.constant 0 : i32
        %dma_start3A_71 = tpu.memref_slice %arg7[%add3A_69, %dma_start3A_70] : memref<160x128xi32, #tpu.memory_space<vmem>> -> memref<1x128xi32, #tpu.memory_space<vmem>>
        %dma_start3A_72 = tpu.memref_squeeze %dma_start3A_71 : memref<1x128xi32, #tpu.memory_space<vmem>> -> memref<128xi32, #tpu.memory_space<vmem>>
        %dma_start3A_73 = arith.constant 0 : i32
        %dma_start3A_74 = arith.constant 0 : i32
        %dma_start3A_75 = tpu.memref_slice %arg2[%dma_start3A_73, %dma_start3A_74] : memref<10000x128xf32, #tpu.memory_space<hbm>> -> memref<10000x128xf32, #tpu.memory_space<hbm>>
        tpu.enqueue_indirect_dma source(%dma_start3A_75 : memref<10000x128xf32, #tpu.memory_space<hbm>>) target(%arg9 : memref<128x128xf32, #tpu.memory_space<vmem>>) offsets(%dma_start3A_72 : memref<128xi32, #tpu.memory_space<vmem>>) semaphore(%arg12 : memref<!tpu.dma_semaphore, #tpu.memory_space<semaphore_mem>>)
      } else {
      }
      %mul3A_53 = arith.constant 2 : i32
      %mul3A_54 = arith.muli %scan3A_40, %mul3A_53 : i32
      %add3A_55 = arith.constant 1 : i32
      %add3A_56 = arith.addi %mul3A_54, %add3A_55 : i32
      %dma_wait3A_57 = arith.constant 0 : i32
      %dma_wait3A_58 = tpu.memref_slice %arg7[%add3A_56, %dma_wait3A_57] : memref<160x128xi32, #tpu.memory_space<vmem>> -> memref<1x128xi32, #tpu.memory_space<vmem>>
      %dma_wait3A_59 = tpu.memref_squeeze %dma_wait3A_58 : memref<1x128xi32, #tpu.memory_space<vmem>> -> memref<128xi32, #tpu.memory_space<vmem>>
      %dma_wait3A_60 = arith.constant 0 : i32
      %dma_wait3A_61 = arith.constant 0 : i32
      %dma_wait3A_62 = tpu.memref_slice %arg2[%dma_wait3A_60, %dma_wait3A_61] : memref<10000x128xf32, #tpu.memory_space<hbm>> -> memref<10000x128xf32, #tpu.memory_space<hbm>>
      tpu.wait_indirect_dma semaphore(%arg13 : memref<!tpu.dma_semaphore, #tpu.memory_space<semaphore_mem>>) src(%dma_wait3A_62 : memref<10000x128xf32, #tpu.memory_space<hbm>>) dst(%arg10 : memref<128x128xf32, #tpu.memory_space<vmem>>)
      "tpu.region"() ({
        %run_scoped3A = tpu.sem_alloc : memref<!tpu.dma_semaphore, #tpu.memory_space<semaphore_mem>>
        %dma_start3A_68 = arith.constant 0 : i32
        %dma_start3A_69 = tpu.memref_slice %arg8[%add3A_56, %dma_start3A_68] : memref<160x128xi32, #tpu.memory_space<vmem>> -> memref<1x128xi32, #tpu.memory_space<vmem>>
        %dma_start3A_70 = tpu.memref_squeeze %dma_start3A_69 : memref<1x128xi32, #tpu.memory_space<vmem>> -> memref<128xi32, #tpu.memory_space<vmem>>
        %dma_start3A_71 = arith.constant 0 : i32
        %dma_start3A_72 = arith.constant 0 : i32
        %dma_start3A_73 = tpu.memref_slice %arg11[%dma_start3A_71, %dma_start3A_72] : memref<5128x128xf32, #tpu.memory_space<vmem_shared>> -> memref<5128x128xf32, #tpu.memory_space<vmem_shared>>
        tpu.enqueue_indirect_dma source(%arg10 : memref<128x128xf32, #tpu.memory_space<vmem>>) target(%dma_start3A_73 : memref<5128x128xf32, #tpu.memory_space<vmem_shared>>) offsets(%dma_start3A_70 : memref<128xi32, #tpu.memory_space<vmem>>) semaphore(%run_scoped3A : memref<!tpu.dma_semaphore, #tpu.memory_space<semaphore_mem>>) {add = true}
        %dma_wait3A_74 = arith.constant 0 : i32
        %dma_wait3A_75 = tpu.memref_slice %arg8[%add3A_56, %dma_wait3A_74] : memref<160x128xi32, #tpu.memory_space<vmem>> -> memref<1x128xi32, #tpu.memory_space<vmem>>
        %dma_wait3A_76 = tpu.memref_squeeze %dma_wait3A_75 : memref<1x128xi32, #tpu.memory_space<vmem>> -> memref<128xi32, #tpu.memory_space<vmem>>
        %dma_wait3A_77 = arith.constant 0 : i32
        %dma_wait3A_78 = arith.constant 0 : i32
        %dma_wait3A_79 = tpu.memref_slice %arg11[%dma_wait3A_77, %dma_wait3A_78] : memref<5128x128xf32, #tpu.memory_space<vmem_shared>> -> memref<5128x128xf32, #tpu.memory_space<vmem_shared>>
        tpu.wait_indirect_dma semaphore(%run_scoped3A : memref<!tpu.dma_semaphore, #tpu.memory_space<semaphore_mem>>) src(%arg10 : memref<128x128xf32, #tpu.memory_space<vmem>>) dst(%dma_wait3A_79 : memref<5128x128xf32, #tpu.memory_space<vmem_shared>>)
        tpu.yield
      }) : () -> ()
      %lt3A_63 = arith.constant 79 : i32
      %lt3A_64 = arith.cmpi slt, %scan3A_40, %lt3A_63 : i32
      %convert_element_type3A_65 = arith.extui %lt3A_64 : i1 to i32
      %cond3A_66 = arith.constant 0 : i32
      %cond3A_67 = arith.cmpi ne, %convert_element_type3A_65, %cond3A_66 : i32
      scf.if %cond3A_67 {
        %add3A_68 = arith.constant 2 : i32
        %add3A_69 = arith.addi %add3A_56, %add3A_68 : i32
        %dma_start3A_70 = arith.constant 0 : i32
        %dma_start3A_71 = tpu.memref_slice %arg7[%add3A_69, %dma_start3A_70] : memref<160x128xi32, #tpu.memory_space<vmem>> -> memref<1x128xi32, #tpu.memory_space<vmem>>
        %dma_start3A_72 = tpu.memref_squeeze %dma_start3A_71 : memref<1x128xi32, #tpu.memory_space<vmem>> -> memref<128xi32, #tpu.memory_space<vmem>>
        %dma_start3A_73 = arith.constant 0 : i32
        %dma_start3A_74 = arith.constant 0 : i32
        %dma_start3A_75 = tpu.memref_slice %arg2[%dma_start3A_73, %dma_start3A_74] : memref<10000x128xf32, #tpu.memory_space<hbm>> -> memref<10000x128xf32, #tpu.memory_space<hbm>>
        tpu.enqueue_indirect_dma source(%dma_start3A_75 : memref<10000x128xf32, #tpu.memory_space<hbm>>) target(%arg10 : memref<128x128xf32, #tpu.memory_space<vmem>>) offsets(%dma_start3A_72 : memref<128xi32, #tpu.memory_space<vmem>>) semaphore(%arg13 : memref<!tpu.dma_semaphore, #tpu.memory_space<semaphore_mem>>)
      } else {
      }
    }
    %scan3A_34 = arith.constant 80 : i32
    %barrier3A_35 = arith.constant 0 : index
    tpu.barrier barrier_id(%barrier3A_35)
    %mul3A_36 = arith.constant 320 : i32
    %mul3A_37 = arith.muli %arg1, %mul3A_36 : i32
    %mul3A_38 = arith.constant 320 : i32
    %mul3A_39 = arith.muli %arg1, %mul3A_38 : i32
    "tpu.region"() ({
      %run_scoped3A = tpu.sem_alloc : memref<!tpu.dma_semaphore, #tpu.memory_space<semaphore_mem>>
      %dma_start3A_40 = arith.constant 0 : i32
      %dma_start3A_41 = tpu.memref_slice %arg6[%arg0, %mul3A_39, %dma_start3A_40] : memref<2x5120x128xf32, #tpu.memory_space<hbm>> -> memref<1x320x128xf32, #tpu.memory_space<hbm>>
      %dma_start3A_42 = tpu.memref_squeeze %dma_start3A_41 : memref<1x320x128xf32, #tpu.memory_space<hbm>> -> memref<320x128xf32, #tpu.memory_space<hbm>>
      %dma_start3A_43 = arith.constant 0 : i32
      %dma_start3A_44 = tpu.memref_slice %arg11[%mul3A_37, %dma_start3A_43] : memref<5128x128xf32, #tpu.memory_space<vmem_shared>> -> memref<320x128xf32, #tpu.memory_space<vmem_shared>>
      tpu.enqueue_dma source(%dma_start3A_44 : memref<320x128xf32, #tpu.memory_space<vmem_shared>>) target(%dma_start3A_42 : memref<320x128xf32, #tpu.memory_space<hbm>>) target_semaphore(%run_scoped3A : memref<!tpu.dma_semaphore, #tpu.memory_space<semaphore_mem>>)
      %dma_wait3A = arith.constant 0 : i32
      %dma_wait3A_45 = tpu.memref_slice %arg6[%arg0, %mul3A_39, %dma_wait3A] : memref<2x5120x128xf32, #tpu.memory_space<hbm>> -> memref<1x320x128xf32, #tpu.memory_space<hbm>>
      %dma_wait3A_46 = tpu.memref_squeeze %dma_wait3A_45 : memref<1x320x128xf32, #tpu.memory_space<hbm>> -> memref<320x128xf32, #tpu.memory_space<hbm>>
      %dma_wait3A_47 = arith.constant 0 : i32
      %dma_wait3A_48 = tpu.memref_slice %arg11[%mul3A_37, %dma_wait3A_47] : memref<5128x128xf32, #tpu.memory_space<vmem_shared>> -> memref<320x128xf32, #tpu.memory_space<vmem_shared>>
      tpu.wait_dma2 semaphore(%run_scoped3A : memref<!tpu.dma_semaphore, #tpu.memory_space<semaphore_mem>>) src(%dma_wait3A_48 : memref<320x128xf32, #tpu.memory_space<vmem_shared>>) dst(%dma_wait3A_46 : memref<320x128xf32, #tpu.memory_space<hbm>>)
      tpu.yield
    }) : () -> ()
    return
  }
}

#map = affine_map<(d0, d1) -> (0, 0)>
#map1 = affine_map<(d0, d1) -> (0, 0, 0)>
module attributes {stable_mosaic.version = 14 : i64} {
  func.func @_agg(%arg0: i32, %arg1: i32, %arg2: memref<10000x128xf32, #tpu.memory_space<hbm>>, %arg3: memref<16x160x128xi32, #tpu.memory_space<hbm>>, %arg4: memref<16x160x128xi32, #tpu.memory_space<hbm>>, %arg5: memref<320x128xf32, #tpu.memory_space<hbm>>, %arg6: memref<2x5120x128xf32, #tpu.memory_space<hbm>>, %arg7: memref<160x128xi32, #tpu.memory_space<vmem>>, %arg8: memref<160x128xi32, #tpu.memory_space<vmem>>, %arg9: memref<128x128xf32, #tpu.memory_space<vmem>>, %arg10: memref<128x128xf32, #tpu.memory_space<vmem>>, %arg11: memref<5128x128xf32, #tpu.memory_space<vmem_shared>>, %arg12: memref<!tpu.dma_semaphore, #tpu.memory_space<semaphore_mem>>, %arg13: memref<!tpu.dma_semaphore, #tpu.memory_space<semaphore_mem>>) attributes {dimension_semantics = [#tpu.dimension_semantics<core_parallel>, #tpu.dimension_semantics<subcore_parallel>], iteration_bounds = array<i64: 2, 16>, scalar_prefetch = 0 : i64, scratch_operands = 7 : i64, tpu.core_type = #tpu.core_type<sc_vector_subcore>, window_params = [{transform_indices = #map}, {transform_indices = #map1}, {transform_indices = #map1}, {transform_indices = #map}, {transform_indices = #map1}]} {
    %scan3A = arith.constant 0 : i32
    %scan3A_0 = arith.constant 0 : i32
    %scan3A_1 = arith.constant 10 : i32
    %scan3A_2 = arith.addi %scan3A_0, %scan3A_1 : i32
    %scan3A_3 = arith.constant 1 : i32
    scf.for %scan3A_40 = %scan3A_0 to %scan3A_2 step %scan3A_3  : i32 {
      %mul3A_41 = arith.constant 16 : i32
      %mul3A_42 = arith.muli %scan3A_40, %mul3A_41 : i32
      %mul3A_43 = arith.constant 16 : i32
      %mul3A_44 = arith.muli %scan3A_40, %mul3A_43 : i32
      "tpu.region"() ({
        %run_scoped3A = tpu.sem_alloc : memref<!tpu.dma_semaphore, #tpu.memory_space<semaphore_mem>>
        %dma_start3A_49 = arith.constant 0 : i32
        %dma_start3A_50 = tpu.memref_slice %arg7[%mul3A_44, %dma_start3A_49] : memref<160x128xi32, #tpu.memory_space<vmem>> -> memref<16x128xi32, #tpu.memory_space<vmem>>
        %dma_start3A_51 = arith.constant 0 : i32
        %dma_start3A_52 = tpu.memref_slice %arg3[%arg1, %mul3A_42, %dma_start3A_51] : memref<16x160x128xi32, #tpu.memory_space<hbm>> -> memref<1x16x128xi32, #tpu.memory_space<hbm>>
        %dma_start3A_53 = tpu.memref_squeeze %dma_start3A_52 : memref<1x16x128xi32, #tpu.memory_space<hbm>> -> memref<16x128xi32, #tpu.memory_space<hbm>>
        %dma_start3A_54 = arith.constant 0 : i32
        %dma_start3A_55 = tpu.memref_slice %arg7[%mul3A_44, %dma_start3A_54] : memref<160x128xi32, #tpu.memory_space<vmem>> -> memref<16x128xi32, #tpu.memory_space<vmem>>
        %dma_start3A_56 = arith.constant 0 : i32
        %dma_start3A_57 = tpu.memref_slice %arg3[%arg1, %mul3A_42, %dma_start3A_56] : memref<16x160x128xi32, #tpu.memory_space<hbm>> -> memref<1x16x128xi32, #tpu.memory_space<hbm>>
        %dma_start3A_58 = tpu.memref_squeeze %dma_start3A_57 : memref<1x16x128xi32, #tpu.memory_space<hbm>> -> memref<16x128xi32, #tpu.memory_space<hbm>>
        tpu.enqueue_dma source(%dma_start3A_58 : memref<16x128xi32, #tpu.memory_space<hbm>>) target(%dma_start3A_55 : memref<16x128xi32, #tpu.memory_space<vmem>>) target_semaphore(%run_scoped3A : memref<!tpu.dma_semaphore, #tpu.memory_space<semaphore_mem>>)
        %dma_wait3A = arith.constant 0 : i32
        %dma_wait3A_59 = tpu.memref_slice %arg7[%mul3A_44, %dma_wait3A] : memref<160x128xi32, #tpu.memory_space<vmem>> -> memref<16x128xi32, #tpu.memory_space<vmem>>
        %dma_wait3A_60 = arith.constant 0 : i32
        %dma_wait3A_61 = tpu.memref_slice %arg3[%arg1, %mul3A_42, %dma_wait3A_60] : memref<16x160x128xi32, #tpu.memory_space<hbm>> -> memref<1x16x128xi32, #tpu.memory_space<hbm>>
        %dma_wait3A_62 = tpu.memref_squeeze %dma_wait3A_61 : memref<1x16x128xi32, #tpu.memory_space<hbm>> -> memref<16x128xi32, #tpu.memory_space<hbm>>
        %dma_wait3A_63 = arith.constant 0 : i32
        %dma_wait3A_64 = tpu.memref_slice %arg7[%mul3A_44, %dma_wait3A_63] : memref<160x128xi32, #tpu.memory_space<vmem>> -> memref<16x128xi32, #tpu.memory_space<vmem>>
        %dma_wait3A_65 = arith.constant 0 : i32
        %dma_wait3A_66 = tpu.memref_slice %arg3[%arg1, %mul3A_42, %dma_wait3A_65] : memref<16x160x128xi32, #tpu.memory_space<hbm>> -> memref<1x16x128xi32, #tpu.memory_space<hbm>>
        %dma_wait3A_67 = tpu.memref_squeeze %dma_wait3A_66 : memref<1x16x128xi32, #tpu.memory_space<hbm>> -> memref<16x128xi32, #tpu.memory_space<hbm>>
        tpu.wait_dma2 semaphore(%run_scoped3A : memref<!tpu.dma_semaphore, #tpu.memory_space<semaphore_mem>>) src(%dma_wait3A_67 : memref<16x128xi32, #tpu.memory_space<hbm>>) dst(%dma_wait3A_64 : memref<16x128xi32, #tpu.memory_space<vmem>>)
        tpu.yield
      }) : () -> ()
      %mul3A_45 = arith.constant 16 : i32
      %mul3A_46 = arith.muli %scan3A_40, %mul3A_45 : i32
      %mul3A_47 = arith.constant 16 : i32
      %mul3A_48 = arith.muli %scan3A_40, %mul3A_47 : i32
      "tpu.region"() ({
        %run_scoped3A = tpu.sem_alloc : memref<!tpu.dma_semaphore, #tpu.memory_space<semaphore_mem>>
        %dma_start3A_49 = arith.constant 0 : i32
        %dma_start3A_50 = tpu.memref_slice %arg8[%mul3A_48, %dma_start3A_49] : memref<160x128xi32, #tpu.memory_space<vmem>> -> memref<16x128xi32, #tpu.memory_space<vmem>>
        %dma_start3A_51 = arith.constant 0 : i32
        %dma_start3A_52 = tpu.memref_slice %arg4[%arg1, %mul3A_46, %dma_start3A_51] : memref<16x160x128xi32, #tpu.memory_space<hbm>> -> memref<1x16x128xi32, #tpu.memory_space<hbm>>
        %dma_start3A_53 = tpu.memref_squeeze %dma_start3A_52 : memref<1x16x128xi32, #tpu.memory_space<hbm>> -> memref<16x128xi32, #tpu.memory_space<hbm>>
        %dma_start3A_54 = arith.constant 0 : i32
        %dma_start3A_55 = tpu.memref_slice %arg8[%mul3A_48, %dma_start3A_54] : memref<160x128xi32, #tpu.memory_space<vmem>> -> memref<16x128xi32, #tpu.memory_space<vmem>>
        %dma_start3A_56 = arith.constant 0 : i32
        %dma_start3A_57 = tpu.memref_slice %arg4[%arg1, %mul3A_46, %dma_start3A_56] : memref<16x160x128xi32, #tpu.memory_space<hbm>> -> memref<1x16x128xi32, #tpu.memory_space<hbm>>
        %dma_start3A_58 = tpu.memref_squeeze %dma_start3A_57 : memref<1x16x128xi32, #tpu.memory_space<hbm>> -> memref<16x128xi32, #tpu.memory_space<hbm>>
        tpu.enqueue_dma source(%dma_start3A_58 : memref<16x128xi32, #tpu.memory_space<hbm>>) target(%dma_start3A_55 : memref<16x128xi32, #tpu.memory_space<vmem>>) target_semaphore(%run_scoped3A : memref<!tpu.dma_semaphore, #tpu.memory_space<semaphore_mem>>)
        %dma_wait3A = arith.constant 0 : i32
        %dma_wait3A_59 = tpu.memref_slice %arg8[%mul3A_48, %dma_wait3A] : memref<160x128xi32, #tpu.memory_space<vmem>> -> memref<16x128xi32, #tpu.memory_space<vmem>>
        %dma_wait3A_60 = arith.constant 0 : i32
        %dma_wait3A_61 = tpu.memref_slice %arg4[%arg1, %mul3A_46, %dma_wait3A_60] : memref<16x160x128xi32, #tpu.memory_space<hbm>> -> memref<1x16x128xi32, #tpu.memory_space<hbm>>
        %dma_wait3A_62 = tpu.memref_squeeze %dma_wait3A_61 : memref<1x16x128xi32, #tpu.memory_space<hbm>> -> memref<16x128xi32, #tpu.memory_space<hbm>>
        %dma_wait3A_63 = arith.constant 0 : i32
        %dma_wait3A_64 = tpu.memref_slice %arg8[%mul3A_48, %dma_wait3A_63] : memref<160x128xi32, #tpu.memory_space<vmem>> -> memref<16x128xi32, #tpu.memory_space<vmem>>
        %dma_wait3A_65 = arith.constant 0 : i32
        %dma_wait3A_66 = tpu.memref_slice %arg4[%arg1, %mul3A_46, %dma_wait3A_65] : memref<16x160x128xi32, #tpu.memory_space<hbm>> -> memref<1x16x128xi32, #tpu.memory_space<hbm>>
        %dma_wait3A_67 = tpu.memref_squeeze %dma_wait3A_66 : memref<1x16x128xi32, #tpu.memory_space<hbm>> -> memref<16x128xi32, #tpu.memory_space<hbm>>
        tpu.wait_dma2 semaphore(%run_scoped3A : memref<!tpu.dma_semaphore, #tpu.memory_space<semaphore_mem>>) src(%dma_wait3A_67 : memref<16x128xi32, #tpu.memory_space<hbm>>) dst(%dma_wait3A_64 : memref<16x128xi32, #tpu.memory_space<vmem>>)
        tpu.yield
      }) : () -> ()
    }
    %scan3A_4 = arith.constant 10 : i32
    %mul3A = arith.constant 320 : i32
    %mul3A_5 = arith.muli %arg1, %mul3A : i32
    "tpu.region"() ({
      %run_scoped3A = tpu.sem_alloc : memref<!tpu.dma_semaphore, #tpu.memory_space<semaphore_mem>>
      %dma_start3A_40 = arith.constant 0 : i32
      %dma_start3A_41 = tpu.memref_slice %arg11[%mul3A_5, %dma_start3A_40] : memref<5128x128xf32, #tpu.memory_space<vmem_shared>> -> memref<320x128xf32, #tpu.memory_space<vmem_shared>>
      tpu.enqueue_dma source(%arg5 : memref<320x128xf32, #tpu.memory_space<hbm>>) target(%dma_start3A_41 : memref<320x128xf32, #tpu.memory_space<vmem_shared>>) target_semaphore(%run_scoped3A : memref<!tpu.dma_semaphore, #tpu.memory_space<semaphore_mem>>)
      %dma_wait3A = arith.constant 0 : i32
      %dma_wait3A_42 = tpu.memref_slice %arg11[%mul3A_5, %dma_wait3A] : memref<5128x128xf32, #tpu.memory_space<vmem_shared>> -> memref<320x128xf32, #tpu.memory_space<vmem_shared>>
      tpu.wait_dma2 semaphore(%run_scoped3A : memref<!tpu.dma_semaphore, #tpu.memory_space<semaphore_mem>>) src(%arg5 : memref<320x128xf32, #tpu.memory_space<hbm>>) dst(%dma_wait3A_42 : memref<320x128xf32, #tpu.memory_space<vmem_shared>>)
      tpu.yield
    }) : () -> ()
    %eq3A = arith.constant 0 : i32
    %eq3A_6 = arith.cmpi eq, %arg1, %eq3A : i32
    %convert_element_type3A = arith.extui %eq3A_6 : i1 to i32
    %cond3A = arith.constant 0 : i32
    %cond3A_7 = arith.cmpi ne, %convert_element_type3A, %cond3A : i32
    scf.if %cond3A_7 {
      "tpu.region"() ({
        %run_scoped3A = tpu.sem_alloc : memref<!tpu.dma_semaphore, #tpu.memory_space<semaphore_mem>>
        %dma_start3A_40 = arith.constant 5120 : i32
        %dma_start3A_41 = arith.constant 0 : i32
        %dma_start3A_42 = tpu.memref_slice %arg11[%dma_start3A_40, %dma_start3A_41] : memref<5128x128xf32, #tpu.memory_space<vmem_shared>> -> memref<8x128xf32, #tpu.memory_space<vmem_shared>>
        %dma_start3A_43 = arith.constant 0 : i32
        %dma_start3A_44 = arith.constant 0 : i32
        %dma_start3A_45 = tpu.memref_slice %arg5[%dma_start3A_43, %dma_start3A_44] : memref<320x128xf32, #tpu.memory_space<hbm>> -> memref<8x128xf32, #tpu.memory_space<hbm>>
        tpu.enqueue_dma source(%dma_start3A_45 : memref<8x128xf32, #tpu.memory_space<hbm>>) target(%dma_start3A_42 : memref<8x128xf32, #tpu.memory_space<vmem_shared>>) target_semaphore(%run_scoped3A : memref<!tpu.dma_semaphore, #tpu.memory_space<semaphore_mem>>)
        %dma_wait3A = arith.constant 5120 : i32
        %dma_wait3A_46 = arith.constant 0 : i32
        %dma_wait3A_47 = tpu.memref_slice %arg11[%dma_wait3A, %dma_wait3A_46] : memref<5128x128xf32, #tpu.memory_space<vmem_shared>> -> memref<8x128xf32, #tpu.memory_space<vmem_shared>>
        %dma_wait3A_48 = arith.constant 0 : i32
        %dma_wait3A_49 = arith.constant 0 : i32
        %dma_wait3A_50 = tpu.memref_slice %arg5[%dma_wait3A_48, %dma_wait3A_49] : memref<320x128xf32, #tpu.memory_space<hbm>> -> memref<8x128xf32, #tpu.memory_space<hbm>>
        tpu.wait_dma2 semaphore(%run_scoped3A : memref<!tpu.dma_semaphore, #tpu.memory_space<semaphore_mem>>) src(%dma_wait3A_50 : memref<8x128xf32, #tpu.memory_space<hbm>>) dst(%dma_wait3A_47 : memref<8x128xf32, #tpu.memory_space<vmem_shared>>)
        tpu.yield
      }) : () -> ()
    } else {
    }
    %mul3A_8 = arith.constant 5120 : i32
    %mul3A_9 = arith.muli %arg0, %mul3A_8 : i32
    %scan3A_10 = arith.constant 0 : i32
    %scan3A_11 = arith.constant 0 : i32
    %scan3A_12 = arith.constant 160 : i32
    %scan3A_13 = arith.addi %scan3A_11, %scan3A_12 : i32
    %scan3A_14 = arith.constant 1 : i32
    scf.for %scan3A_40 = %scan3A_11 to %scan3A_13 step %scan3A_14  : i32 {
      %get3A = arith.index_cast %scan3A_40 : i32 to index
      %get3A_41 = arith.constant 0 : index
      %get3A_42 = tpu.vector_load %arg8[%get3A, %get3A_41] {strides = array<i32>} : memref<160x128xi32, #tpu.memory_space<vmem>>, vector<16xi32>,
      %sub3A = vector.broadcast %mul3A_9 : i32 to vector<16xi32>
      %sub3A_43 = arith.subi %get3A_42, %sub3A : vector<16xi32>
      %ge3A = arith.constant 0 : i32
      %ge3A_44 = vector.broadcast %ge3A : i32 to vector<16xi32>
      %ge3A_45 = arith.cmpi sge, %sub3A_43, %ge3A_44 : vector<16xi32>
      %lt3A = arith.constant 5120 : i32
      %lt3A_46 = vector.broadcast %lt3A : i32 to vector<16xi32>
      %lt3A_47 = arith.cmpi slt, %sub3A_43, %lt3A_46 : vector<16xi32>
      %and3A = arith.andi %ge3A_45, %lt3A_47 : vector<16xi1>
      %jit3A = arith.constant 5120 : i32
      %broadcast_in_dim3A = vector.broadcast %jit3A : i32 to vector<16xi32>
      %select_n3A = arith.select %and3A, %sub3A_43, %broadcast_in_dim3A : vector<16xi1>, vector<16xi32>
      %swap3A = arith.index_cast %scan3A_40 : i32 to index
      %swap3A_48 = arith.constant 0 : index
      %swap3A_49 = tpu.vector_load %arg8[%swap3A, %swap3A_48] {strides = array<i32>} : memref<160x128xi32, #tpu.memory_space<vmem>>, vector<16xi32>,
      tpu.vector_store %arg8[%swap3A, %swap3A_48], %select_n3A {strides = array<i32>} : memref<160x128xi32, #tpu.memory_space<vmem>>, vector<16xi32>,
      %get3A_50 = arith.index_cast %scan3A_40 : i32 to index
      %get3A_51 = arith.constant 16 : index
      %get3A_52 = tpu.vector_load %arg8[%get3A_50, %get3A_51] {strides = array<i32>} : memref<160x128xi32, #tpu.memory_space<vmem>>, vector<16xi32>,
      %sub3A_53 = vector.broadcast %mul3A_9 : i32 to vector<16xi32>
      %sub3A_54 = arith.subi %get3A_52, %sub3A_53 : vector<16xi32>
      %ge3A_55 = arith.constant 0 : i32
      %ge3A_56 = vector.broadcast %ge3A_55 : i32 to vector<16xi32>
      %ge3A_57 = arith.cmpi sge, %sub3A_54, %ge3A_56 : vector<16xi32>
      %lt3A_58 = arith.constant 5120 : i32
      %lt3A_59 = vector.broadcast %lt3A_58 : i32 to vector<16xi32>
      %lt3A_60 = arith.cmpi slt, %sub3A_54, %lt3A_59 : vector<16xi32>
      %and3A_61 = arith.andi %ge3A_57, %lt3A_60 : vector<16xi1>
      %jit3A_62 = arith.constant 5120 : i32
      %broadcast_in_dim3A_63 = vector.broadcast %jit3A_62 : i32 to vector<16xi32>
      %select_n3A_64 = arith.select %and3A_61, %sub3A_54, %broadcast_in_dim3A_63 : vector<16xi1>, vector<16xi32>
      %swap3A_65 = arith.index_cast %scan3A_40 : i32 to index
      %swap3A_66 = arith.constant 16 : index
      %swap3A_67 = tpu.vector_load %arg8[%swap3A_65, %swap3A_66] {strides = array<i32>} : memref<160x128xi32, #tpu.memory_space<vmem>>, vector<16xi32>,
      tpu.vector_store %arg8[%swap3A_65, %swap3A_66], %select_n3A_64 {strides = array<i32>} : memref<160x128xi32, #tpu.memory_space<vmem>>, vector<16xi32>,
      %get3A_68 = arith.index_cast %scan3A_40 : i32 to index
      %get3A_69 = arith.constant 32 : index
      %get3A_70 = tpu.vector_load %arg8[%get3A_68, %get3A_69] {strides = array<i32>} : memref<160x128xi32, #tpu.memory_space<vmem>>, vector<16xi32>,
      %sub3A_71 = vector.broadcast %mul3A_9 : i32 to vector<16xi32>
      %sub3A_72 = arith.subi %get3A_70, %sub3A_71 : vector<16xi32>
      %ge3A_73 = arith.constant 0 : i32
      %ge3A_74 = vector.broadcast %ge3A_73 : i32 to vector<16xi32>
      %ge3A_75 = arith.cmpi sge, %sub3A_72, %ge3A_74 : vector<16xi32>
      %lt3A_76 = arith.constant 5120 : i32
      %lt3A_77 = vector.broadcast %lt3A_76 : i32 to vector<16xi32>
      %lt3A_78 = arith.cmpi slt, %sub3A_72, %lt3A_77 : vector<16xi32>
      %and3A_79 = arith.andi %ge3A_75, %lt3A_78 : vector<16xi1>
      %jit3A_80 = arith.constant 5120 : i32
      %broadcast_in_dim3A_81 = vector.broadcast %jit3A_80 : i32 to vector<16xi32>
      %select_n3A_82 = arith.select %and3A_79, %sub3A_72, %broadcast_in_dim3A_81 : vector<16xi1>, vector<16xi32>
      %swap3A_83 = arith.index_cast %scan3A_40 : i32 to index
      %swap3A_84 = arith.constant 32 : index
      %swap3A_85 = tpu.vector_load %arg8[%swap3A_83, %swap3A_84] {strides = array<i32>} : memref<160x128xi32, #tpu.memory_space<vmem>>, vector<16xi32>,
      tpu.vector_store %arg8[%swap3A_83, %swap3A_84], %select_n3A_82 {strides = array<i32>} : memref<160x128xi32, #tpu.memory_space<vmem>>, vector<16xi32>,
      %get3A_86 = arith.index_cast %scan3A_40 : i32 to index
      %get3A_87 = arith.constant 48 : index
      %get3A_88 = tpu.vector_load %arg8[%get3A_86, %get3A_87] {strides = array<i32>} : memref<160x128xi32, #tpu.memory_space<vmem>>, vector<16xi32>,
      %sub3A_89 = vector.broadcast %mul3A_9 : i32 to vector<16xi32>
      %sub3A_90 = arith.subi %get3A_88, %sub3A_89 : vector<16xi32>
      %ge3A_91 = arith.constant 0 : i32
      %ge3A_92 = vector.broadcast %ge3A_91 : i32 to vector<16xi32>
      %ge3A_93 = arith.cmpi sge, %sub3A_90, %ge3A_92 : vector<16xi32>
      %lt3A_94 = arith.constant 5120 : i32
      %lt3A_95 = vector.broadcast %lt3A_94 : i32 to vector<16xi32>
      %lt3A_96 = arith.cmpi slt, %sub3A_90, %lt3A_95 : vector<16xi32>
      %and3A_97 = arith.andi %ge3A_93, %lt3A_96 : vector<16xi1>
      %jit3A_98 = arith.constant 5120 : i32
      %broadcast_in_dim3A_99 = vector.broadcast %jit3A_98 : i32 to vector<16xi32>
      %select_n3A_100 = arith.select %and3A_97, %sub3A_90, %broadcast_in_dim3A_99 : vector<16xi1>, vector<16xi32>
      %swap3A_101 = arith.index_cast %scan3A_40 : i32 to index
      %swap3A_102 = arith.constant 48 : index
      %swap3A_103 = tpu.vector_load %arg8[%swap3A_101, %swap3A_102] {strides = array<i32>} : memref<160x128xi32, #tpu.memory_space<vmem>>, vector<16xi32>,
      tpu.vector_store %arg8[%swap3A_101, %swap3A_102], %select_n3A_100 {strides = array<i32>} : memref<160x128xi32, #tpu.memory_space<vmem>>, vector<16xi32>,
      %get3A_104 = arith.index_cast %scan3A_40 : i32 to index
      %get3A_105 = arith.constant 64 : index
      %get3A_106 = tpu.vector_load %arg8[%get3A_104, %get3A_105] {strides = array<i32>} : memref<160x128xi32, #tpu.memory_space<vmem>>, vector<16xi32>,
      %sub3A_107 = vector.broadcast %mul3A_9 : i32 to vector<16xi32>
      %sub3A_108 = arith.subi %get3A_106, %sub3A_107 : vector<16xi32>
      %ge3A_109 = arith.constant 0 : i32
      %ge3A_110 = vector.broadcast %ge3A_109 : i32 to vector<16xi32>
      %ge3A_111 = arith.cmpi sge, %sub3A_108, %ge3A_110 : vector<16xi32>
      %lt3A_112 = arith.constant 5120 : i32
      %lt3A_113 = vector.broadcast %lt3A_112 : i32 to vector<16xi32>
      %lt3A_114 = arith.cmpi slt, %sub3A_108, %lt3A_113 : vector<16xi32>
      %and3A_115 = arith.andi %ge3A_111, %lt3A_114 : vector<16xi1>
      %jit3A_116 = arith.constant 5120 : i32
      %broadcast_in_dim3A_117 = vector.broadcast %jit3A_116 : i32 to vector<16xi32>
      %select_n3A_118 = arith.select %and3A_115, %sub3A_108, %broadcast_in_dim3A_117 : vector<16xi1>, vector<16xi32>
      %swap3A_119 = arith.index_cast %scan3A_40 : i32 to index
      %swap3A_120 = arith.constant 64 : index
      %swap3A_121 = tpu.vector_load %arg8[%swap3A_119, %swap3A_120] {strides = array<i32>} : memref<160x128xi32, #tpu.memory_space<vmem>>, vector<16xi32>,
      tpu.vector_store %arg8[%swap3A_119, %swap3A_120], %select_n3A_118 {strides = array<i32>} : memref<160x128xi32, #tpu.memory_space<vmem>>, vector<16xi32>,
      %get3A_122 = arith.index_cast %scan3A_40 : i32 to index
      %get3A_123 = arith.constant 80 : index
      %get3A_124 = tpu.vector_load %arg8[%get3A_122, %get3A_123] {strides = array<i32>} : memref<160x128xi32, #tpu.memory_space<vmem>>, vector<16xi32>,
      %sub3A_125 = vector.broadcast %mul3A_9 : i32 to vector<16xi32>
      %sub3A_126 = arith.subi %get3A_124, %sub3A_125 : vector<16xi32>
      %ge3A_127 = arith.constant 0 : i32
      %ge3A_128 = vector.broadcast %ge3A_127 : i32 to vector<16xi32>
      %ge3A_129 = arith.cmpi sge, %sub3A_126, %ge3A_128 : vector<16xi32>
      %lt3A_130 = arith.constant 5120 : i32
      %lt3A_131 = vector.broadcast %lt3A_130 : i32 to vector<16xi32>
      %lt3A_132 = arith.cmpi slt, %sub3A_126, %lt3A_131 : vector<16xi32>
      %and3A_133 = arith.andi %ge3A_129, %lt3A_132 : vector<16xi1>
      %jit3A_134 = arith.constant 5120 : i32
      %broadcast_in_dim3A_135 = vector.broadcast %jit3A_134 : i32 to vector<16xi32>
      %select_n3A_136 = arith.select %and3A_133, %sub3A_126, %broadcast_in_dim3A_135 : vector<16xi1>, vector<16xi32>
      %swap3A_137 = arith.index_cast %scan3A_40 : i32 to index
      %swap3A_138 = arith.constant 80 : index
      %swap3A_139 = tpu.vector_load %arg8[%swap3A_137, %swap3A_138] {strides = array<i32>} : memref<160x128xi32, #tpu.memory_space<vmem>>, vector<16xi32>,
      tpu.vector_store %arg8[%swap3A_137, %swap3A_138], %select_n3A_136 {strides = array<i32>} : memref<160x128xi32, #tpu.memory_space<vmem>>, vector<16xi32>,
      %get3A_140 = arith.index_cast %scan3A_40 : i32 to index
      %get3A_141 = arith.constant 96 : index
      %get3A_142 = tpu.vector_load %arg8[%get3A_140, %get3A_141] {strides = array<i32>} : memref<160x128xi32, #tpu.memory_space<vmem>>, vector<16xi32>,
      %sub3A_143 = vector.broadcast %mul3A_9 : i32 to vector<16xi32>
      %sub3A_144 = arith.subi %get3A_142, %sub3A_143 : vector<16xi32>
      %ge3A_145 = arith.constant 0 : i32
      %ge3A_146 = vector.broadcast %ge3A_145 : i32 to vector<16xi32>
      %ge3A_147 = arith.cmpi sge, %sub3A_144, %ge3A_146 : vector<16xi32>
      %lt3A_148 = arith.constant 5120 : i32
      %lt3A_149 = vector.broadcast %lt3A_148 : i32 to vector<16xi32>
      %lt3A_150 = arith.cmpi slt, %sub3A_144, %lt3A_149 : vector<16xi32>
      %and3A_151 = arith.andi %ge3A_147, %lt3A_150 : vector<16xi1>
      %jit3A_152 = arith.constant 5120 : i32
      %broadcast_in_dim3A_153 = vector.broadcast %jit3A_152 : i32 to vector<16xi32>
      %select_n3A_154 = arith.select %and3A_151, %sub3A_144, %broadcast_in_dim3A_153 : vector<16xi1>, vector<16xi32>
      %swap3A_155 = arith.index_cast %scan3A_40 : i32 to index
      %swap3A_156 = arith.constant 96 : index
      %swap3A_157 = tpu.vector_load %arg8[%swap3A_155, %swap3A_156] {strides = array<i32>} : memref<160x128xi32, #tpu.memory_space<vmem>>, vector<16xi32>,
      tpu.vector_store %arg8[%swap3A_155, %swap3A_156], %select_n3A_154 {strides = array<i32>} : memref<160x128xi32, #tpu.memory_space<vmem>>, vector<16xi32>,
      %get3A_158 = arith.index_cast %scan3A_40 : i32 to index
      %get3A_159 = arith.constant 112 : index
      %get3A_160 = tpu.vector_load %arg8[%get3A_158, %get3A_159] {strides = array<i32>} : memref<160x128xi32, #tpu.memory_space<vmem>>, vector<16xi32>,
      %sub3A_161 = vector.broadcast %mul3A_9 : i32 to vector<16xi32>
      %sub3A_162 = arith.subi %get3A_160, %sub3A_161 : vector<16xi32>
      %ge3A_163 = arith.constant 0 : i32
      %ge3A_164 = vector.broadcast %ge3A_163 : i32 to vector<16xi32>
      %ge3A_165 = arith.cmpi sge, %sub3A_162, %ge3A_164 : vector<16xi32>
      %lt3A_166 = arith.constant 5120 : i32
      %lt3A_167 = vector.broadcast %lt3A_166 : i32 to vector<16xi32>
      %lt3A_168 = arith.cmpi slt, %sub3A_162, %lt3A_167 : vector<16xi32>
      %and3A_169 = arith.andi %ge3A_165, %lt3A_168 : vector<16xi1>
      %jit3A_170 = arith.constant 5120 : i32
      %broadcast_in_dim3A_171 = vector.broadcast %jit3A_170 : i32 to vector<16xi32>
      %select_n3A_172 = arith.select %and3A_169, %sub3A_162, %broadcast_in_dim3A_171 : vector<16xi1>, vector<16xi32>
      %swap3A_173 = arith.index_cast %scan3A_40 : i32 to index
      %swap3A_174 = arith.constant 112 : index
      %swap3A_175 = tpu.vector_load %arg8[%swap3A_173, %swap3A_174] {strides = array<i32>} : memref<160x128xi32, #tpu.memory_space<vmem>>, vector<16xi32>,
      tpu.vector_store %arg8[%swap3A_173, %swap3A_174], %select_n3A_172 {strides = array<i32>} : memref<160x128xi32, #tpu.memory_space<vmem>>, vector<16xi32>,
    }
    %scan3A_15 = arith.constant 160 : i32
    %barrier3A = arith.constant 0 : index
    tpu.barrier barrier_id(%barrier3A)
    %dma_start3A = arith.constant 0 : i32
    %dma_start3A_16 = arith.constant 0 : i32
    %dma_start3A_17 = tpu.memref_slice %arg7[%dma_start3A, %dma_start3A_16] : memref<160x128xi32, #tpu.memory_space<vmem>> -> memref<1x128xi32, #tpu.memory_space<vmem>>
    %dma_start3A_18 = tpu.memref_squeeze %dma_start3A_17 : memref<1x128xi32, #tpu.memory_space<vmem>> -> memref<128xi32, #tpu.memory_space<vmem>>
    %dma_start3A_19 = arith.constant 0 : i32
    %dma_start3A_20 = arith.constant 0 : i32
    %dma_start3A_21 = tpu.memref_slice %arg2[%dma_start3A_19, %dma_start3A_20] : memref<10000x128xf32, #tpu.memory_space<hbm>> -> memref<10000x128xf32, #tpu.memory_space<hbm>>
    tpu.enqueue_indirect_dma source(%dma_start3A_21 : memref<10000x128xf32, #tpu.memory_space<hbm>>) target(%arg9 : memref<128x128xf32, #tpu.memory_space<vmem>>) offsets(%dma_start3A_18 : memref<128xi32, #tpu.memory_space<vmem>>) semaphore(%arg12 : memref<!tpu.dma_semaphore, #tpu.memory_space<semaphore_mem>>)
    %dma_start3A_22 = arith.constant 1 : i32
    %dma_start3A_23 = arith.constant 0 : i32
    %dma_start3A_24 = tpu.memref_slice %arg7[%dma_start3A_22, %dma_start3A_23] : memref<160x128xi32, #tpu.memory_space<vmem>> -> memref<1x128xi32, #tpu.memory_space<vmem>>
    %dma_start3A_25 = tpu.memref_squeeze %dma_start3A_24 : memref<1x128xi32, #tpu.memory_space<vmem>> -> memref<128xi32, #tpu.memory_space<vmem>>
    %dma_start3A_26 = arith.constant 0 : i32
    %dma_start3A_27 = arith.constant 0 : i32
    %dma_start3A_28 = tpu.memref_slice %arg2[%dma_start3A_26, %dma_start3A_27] : memref<10000x128xf32, #tpu.memory_space<hbm>> -> memref<10000x128xf32, #tpu.memory_space<hbm>>
    tpu.enqueue_indirect_dma source(%dma_start3A_28 : memref<10000x128xf32, #tpu.memory_space<hbm>>) target(%arg10 : memref<128x128xf32, #tpu.memory_space<vmem>>) offsets(%dma_start3A_25 : memref<128xi32, #tpu.memory_space<vmem>>) semaphore(%arg13 : memref<!tpu.dma_semaphore, #tpu.memory_space<semaphore_mem>>)
    %scan3A_29 = arith.constant 0 : i32
    %scan3A_30 = arith.constant 0 : i32
    %scan3A_31 = arith.constant 80 : i32
    %scan3A_32 = arith.addi %scan3A_30, %scan3A_31 : i32
    %scan3A_33 = arith.constant 1 : i32
    scf.for %scan3A_40 = %scan3A_30 to %scan3A_32 step %scan3A_33  : i32 {
      %mul3A_41 = arith.constant 2 : i32
      %mul3A_42 = arith.muli %scan3A_40, %mul3A_41 : i32
      %add3A = arith.constant 0 : i32
      %add3A_43 = arith.addi %mul3A_42, %add3A : i32
      %dma_wait3A = arith.constant 0 : i32
      %dma_wait3A_44 = tpu.memref_slice %arg7[%add3A_43, %dma_wait3A] : memref<160x128xi32, #tpu.memory_space<vmem>> -> memref<1x128xi32, #tpu.memory_space<vmem>>
      %dma_wait3A_45 = tpu.memref_squeeze %dma_wait3A_44 : memref<1x128xi32, #tpu.memory_space<vmem>> -> memref<128xi32, #tpu.memory_space<vmem>>
      %dma_wait3A_46 = arith.constant 0 : i32
      %dma_wait3A_47 = arith.constant 0 : i32
      %dma_wait3A_48 = tpu.memref_slice %arg2[%dma_wait3A_46, %dma_wait3A_47] : memref<10000x128xf32, #tpu.memory_space<hbm>> -> memref<10000x128xf32, #tpu.memory_space<hbm>>
      tpu.wait_indirect_dma semaphore(%arg12 : memref<!tpu.dma_semaphore, #tpu.memory_space<semaphore_mem>>) src(%dma_wait3A_48 : memref<10000x128xf32, #tpu.memory_space<hbm>>) dst(%arg9 : memref<128x128xf32, #tpu.memory_space<vmem>>)
      "tpu.region"() ({
        %run_scoped3A = tpu.sem_alloc : memref<!tpu.dma_semaphore, #tpu.memory_space<semaphore_mem>>
        %dma_start3A_68 = arith.constant 0 : i32
        %dma_start3A_69 = tpu.memref_slice %arg8[%add3A_43, %dma_start3A_68] : memref<160x128xi32, #tpu.memory_space<vmem>> -> memref<1x128xi32, #tpu.memory_space<vmem>>
        %dma_start3A_70 = tpu.memref_squeeze %dma_start3A_69 : memref<1x128xi32, #tpu.memory_space<vmem>> -> memref<128xi32, #tpu.memory_space<vmem>>
        %dma_start3A_71 = arith.constant 0 : i32
        %dma_start3A_72 = arith.constant 0 : i32
        %dma_start3A_73 = tpu.memref_slice %arg11[%dma_start3A_71, %dma_start3A_72] : memref<5128x128xf32, #tpu.memory_space<vmem_shared>> -> memref<5128x128xf32, #tpu.memory_space<vmem_shared>>
        tpu.enqueue_indirect_dma source(%arg9 : memref<128x128xf32, #tpu.memory_space<vmem>>) target(%dma_start3A_73 : memref<5128x128xf32, #tpu.memory_space<vmem_shared>>) offsets(%dma_start3A_70 : memref<128xi32, #tpu.memory_space<vmem>>) semaphore(%run_scoped3A : memref<!tpu.dma_semaphore, #tpu.memory_space<semaphore_mem>>) {add = true}
        %dma_wait3A_74 = arith.constant 0 : i32
        %dma_wait3A_75 = tpu.memref_slice %arg8[%add3A_43, %dma_wait3A_74] : memref<160x128xi32, #tpu.memory_space<vmem>> -> memref<1x128xi32, #tpu.memory_space<vmem>>
        %dma_wait3A_76 = tpu.memref_squeeze %dma_wait3A_75 : memref<1x128xi32, #tpu.memory_space<vmem>> -> memref<128xi32, #tpu.memory_space<vmem>>
        %dma_wait3A_77 = arith.constant 0 : i32
        %dma_wait3A_78 = arith.constant 0 : i32
        %dma_wait3A_79 = tpu.memref_slice %arg11[%dma_wait3A_77, %dma_wait3A_78] : memref<5128x128xf32, #tpu.memory_space<vmem_shared>> -> memref<5128x128xf32, #tpu.memory_space<vmem_shared>>
        tpu.wait_indirect_dma semaphore(%run_scoped3A : memref<!tpu.dma_semaphore, #tpu.memory_space<semaphore_mem>>) src(%arg9 : memref<128x128xf32, #tpu.memory_space<vmem>>) dst(%dma_wait3A_79 : memref<5128x128xf32, #tpu.memory_space<vmem_shared>>)
        tpu.yield
      }) : () -> ()
      %lt3A = arith.constant 79 : i32
      %lt3A_49 = arith.cmpi slt, %scan3A_40, %lt3A : i32
      %convert_element_type3A_50 = arith.extui %lt3A_49 : i1 to i32
      %cond3A_51 = arith.constant 0 : i32
      %cond3A_52 = arith.cmpi ne, %convert_element_type3A_50, %cond3A_51 : i32
      scf.if %cond3A_52 {
        %add3A_68 = arith.constant 2 : i32
        %add3A_69 = arith.addi %add3A_43, %add3A_68 : i32
        %dma_start3A_70 = arith.constant 0 : i32
        %dma_start3A_71 = tpu.memref_slice %arg7[%add3A_69, %dma_start3A_70] : memref<160x128xi32, #tpu.memory_space<vmem>> -> memref<1x128xi32, #tpu.memory_space<vmem>>
        %dma_start3A_72 = tpu.memref_squeeze %dma_start3A_71 : memref<1x128xi32, #tpu.memory_space<vmem>> -> memref<128xi32, #tpu.memory_space<vmem>>
        %dma_start3A_73 = arith.constant 0 : i32
        %dma_start3A_74 = arith.constant 0 : i32
        %dma_start3A_75 = tpu.memref_slice %arg2[%dma_start3A_73, %dma_start3A_74] : memref<10000x128xf32, #tpu.memory_space<hbm>> -> memref<10000x128xf32, #tpu.memory_space<hbm>>
        tpu.enqueue_indirect_dma source(%dma_start3A_75 : memref<10000x128xf32, #tpu.memory_space<hbm>>) target(%arg9 : memref<128x128xf32, #tpu.memory_space<vmem>>) offsets(%dma_start3A_72 : memref<128xi32, #tpu.memory_space<vmem>>) semaphore(%arg12 : memref<!tpu.dma_semaphore, #tpu.memory_space<semaphore_mem>>)
      } else {
      }
      %mul3A_53 = arith.constant 2 : i32
      %mul3A_54 = arith.muli %scan3A_40, %mul3A_53 : i32
      %add3A_55 = arith.constant 1 : i32
      %add3A_56 = arith.addi %mul3A_54, %add3A_55 : i32
      %dma_wait3A_57 = arith.constant 0 : i32
      %dma_wait3A_58 = tpu.memref_slice %arg7[%add3A_56, %dma_wait3A_57] : memref<160x128xi32, #tpu.memory_space<vmem>> -> memref<1x128xi32, #tpu.memory_space<vmem>>
      %dma_wait3A_59 = tpu.memref_squeeze %dma_wait3A_58 : memref<1x128xi32, #tpu.memory_space<vmem>> -> memref<128xi32, #tpu.memory_space<vmem>>
      %dma_wait3A_60 = arith.constant 0 : i32
      %dma_wait3A_61 = arith.constant 0 : i32
      %dma_wait3A_62 = tpu.memref_slice %arg2[%dma_wait3A_60, %dma_wait3A_61] : memref<10000x128xf32, #tpu.memory_space<hbm>> -> memref<10000x128xf32, #tpu.memory_space<hbm>>
      tpu.wait_indirect_dma semaphore(%arg13 : memref<!tpu.dma_semaphore, #tpu.memory_space<semaphore_mem>>) src(%dma_wait3A_62 : memref<10000x128xf32, #tpu.memory_space<hbm>>) dst(%arg10 : memref<128x128xf32, #tpu.memory_space<vmem>>)
      "tpu.region"() ({
        %run_scoped3A = tpu.sem_alloc : memref<!tpu.dma_semaphore, #tpu.memory_space<semaphore_mem>>
        %dma_start3A_68 = arith.constant 0 : i32
        %dma_start3A_69 = tpu.memref_slice %arg8[%add3A_56, %dma_start3A_68] : memref<160x128xi32, #tpu.memory_space<vmem>> -> memref<1x128xi32, #tpu.memory_space<vmem>>
        %dma_start3A_70 = tpu.memref_squeeze %dma_start3A_69 : memref<1x128xi32, #tpu.memory_space<vmem>> -> memref<128xi32, #tpu.memory_space<vmem>>
        %dma_start3A_71 = arith.constant 0 : i32
        %dma_start3A_72 = arith.constant 0 : i32
        %dma_start3A_73 = tpu.memref_slice %arg11[%dma_start3A_71, %dma_start3A_72] : memref<5128x128xf32, #tpu.memory_space<vmem_shared>> -> memref<5128x128xf32, #tpu.memory_space<vmem_shared>>
        tpu.enqueue_indirect_dma source(%arg10 : memref<128x128xf32, #tpu.memory_space<vmem>>) target(%dma_start3A_73 : memref<5128x128xf32, #tpu.memory_space<vmem_shared>>) offsets(%dma_start3A_70 : memref<128xi32, #tpu.memory_space<vmem>>) semaphore(%run_scoped3A : memref<!tpu.dma_semaphore, #tpu.memory_space<semaphore_mem>>) {add = true}
        %dma_wait3A_74 = arith.constant 0 : i32
        %dma_wait3A_75 = tpu.memref_slice %arg8[%add3A_56, %dma_wait3A_74] : memref<160x128xi32, #tpu.memory_space<vmem>> -> memref<1x128xi32, #tpu.memory_space<vmem>>
        %dma_wait3A_76 = tpu.memref_squeeze %dma_wait3A_75 : memref<1x128xi32, #tpu.memory_space<vmem>> -> memref<128xi32, #tpu.memory_space<vmem>>
        %dma_wait3A_77 = arith.constant 0 : i32
        %dma_wait3A_78 = arith.constant 0 : i32
        %dma_wait3A_79 = tpu.memref_slice %arg11[%dma_wait3A_77, %dma_wait3A_78] : memref<5128x128xf32, #tpu.memory_space<vmem_shared>> -> memref<5128x128xf32, #tpu.memory_space<vmem_shared>>
        tpu.wait_indirect_dma semaphore(%run_scoped3A : memref<!tpu.dma_semaphore, #tpu.memory_space<semaphore_mem>>) src(%arg10 : memref<128x128xf32, #tpu.memory_space<vmem>>) dst(%dma_wait3A_79 : memref<5128x128xf32, #tpu.memory_space<vmem_shared>>)
        tpu.yield
      }) : () -> ()
      %lt3A_63 = arith.constant 79 : i32
      %lt3A_64 = arith.cmpi slt, %scan3A_40, %lt3A_63 : i32
      %convert_element_type3A_65 = arith.extui %lt3A_64 : i1 to i32
      %cond3A_66 = arith.constant 0 : i32
      %cond3A_67 = arith.cmpi ne, %convert_element_type3A_65, %cond3A_66 : i32
      scf.if %cond3A_67 {
        %add3A_68 = arith.constant 2 : i32
        %add3A_69 = arith.addi %add3A_56, %add3A_68 : i32
        %dma_start3A_70 = arith.constant 0 : i32
        %dma_start3A_71 = tpu.memref_slice %arg7[%add3A_69, %dma_start3A_70] : memref<160x128xi32, #tpu.memory_space<vmem>> -> memref<1x128xi32, #tpu.memory_space<vmem>>
        %dma_start3A_72 = tpu.memref_squeeze %dma_start3A_71 : memref<1x128xi32, #tpu.memory_space<vmem>> -> memref<128xi32, #tpu.memory_space<vmem>>
        %dma_start3A_73 = arith.constant 0 : i32
        %dma_start3A_74 = arith.constant 0 : i32
        %dma_start3A_75 = tpu.memref_slice %arg2[%dma_start3A_73, %dma_start3A_74] : memref<10000x128xf32, #tpu.memory_space<hbm>> -> memref<10000x128xf32, #tpu.memory_space<hbm>>
        tpu.enqueue_indirect_dma source(%dma_start3A_75 : memref<10000x128xf32, #tpu.memory_space<hbm>>) target(%arg10 : memref<128x128xf32, #tpu.memory_space<vmem>>) offsets(%dma_start3A_72 : memref<128xi32, #tpu.memory_space<vmem>>) semaphore(%arg13 : memref<!tpu.dma_semaphore, #tpu.memory_space<semaphore_mem>>)
      } else {
      }
    }
    %scan3A_34 = arith.constant 80 : i32
    %barrier3A_35 = arith.constant 0 : index
    tpu.barrier barrier_id(%barrier3A_35)
    %mul3A_36 = arith.constant 320 : i32
    %mul3A_37 = arith.muli %arg1, %mul3A_36 : i32
    %mul3A_38 = arith.constant 320 : i32
    %mul3A_39 = arith.muli %arg1, %mul3A_38 : i32
    "tpu.region"() ({
      %run_scoped3A = tpu.sem_alloc : memref<!tpu.dma_semaphore, #tpu.memory_space<semaphore_mem>>
      %dma_start3A_40 = arith.constant 0 : i32
      %dma_start3A_41 = tpu.memref_slice %arg6[%arg0, %mul3A_39, %dma_start3A_40] : memref<2x5120x128xf32, #tpu.memory_space<hbm>> -> memref<1x320x128xf32, #tpu.memory_space<hbm>>
      %dma_start3A_42 = tpu.memref_squeeze %dma_start3A_41 : memref<1x320x128xf32, #tpu.memory_space<hbm>> -> memref<320x128xf32, #tpu.memory_space<hbm>>
      %dma_start3A_43 = arith.constant 0 : i32
      %dma_start3A_44 = tpu.memref_slice %arg11[%mul3A_37, %dma_start3A_43] : memref<5128x128xf32, #tpu.memory_space<vmem_shared>> -> memref<320x128xf32, #tpu.memory_space<vmem_shared>>
      tpu.enqueue_dma source(%dma_start3A_44 : memref<320x128xf32, #tpu.memory_space<vmem_shared>>) target(%dma_start3A_42 : memref<320x128xf32, #tpu.memory_space<hbm>>) target_semaphore(%run_scoped3A : memref<!tpu.dma_semaphore, #tpu.memory_space<semaphore_mem>>)
      %dma_wait3A = arith.constant 0 : i32
      %dma_wait3A_45 = tpu.memref_slice %arg6[%arg0, %mul3A_39, %dma_wait3A] : memref<2x5120x128xf32, #tpu.memory_space<hbm>> -> memref<1x320x128xf32, #tpu.memory_space<hbm>>
      %dma_wait3A_46 = tpu.memref_squeeze %dma_wait3A_45 : memref<1x320x128xf32, #tpu.memory_space<hbm>> -> memref<320x128xf32, #tpu.memory_space<hbm>>
      %dma_wait3A_47 = arith.constant 0 : i32
      %dma_wait3A_48 = tpu.memref_slice %arg11[%mul3A_37, %dma_wait3A_47] : memref<5128x128xf32, #tpu.memory_space<vmem_shared>> -> memref<320x128xf32, #tpu.memory_space<vmem_shared>>
      tpu.wait_dma2 semaphore(%run_scoped3A : memref<!tpu.dma_semaphore, #tpu.memory_space<semaphore_mem>>) src(%dma_wait3A_48 : memref<320x128xf32, #tpu.memory_space<vmem_shared>>) dst(%dma_wait3A_46 : memref<320x128xf32, #tpu.memory_space<hbm>>)
      tpu.yield
    }) : () -> ()
    return
  }
}

module attributes {stable_mosaic.version = 14 : i64} {
  func.func @_tc1_body(%arg0: i32, %arg1: memref<2048x128xf32, #tpu.memory_space<vmem>>, %arg2: memref<128x128xf32, #tpu.memory_space<vmem>>, %arg3: memref<2x16x2048xf32, #tpu.memory_space<vmem>>, %arg4: memref<2048x128xf32, #tpu.memory_space<vmem>>) attributes {dimension_semantics = [#tpu.dimension_semantics<arbitrary>], iteration_bounds = array<i64: 5>, scalar_prefetch = 0 : i64, scratch_operands = 0 : i64, tpu.core_type = #tpu.core_type<tc>, window_params = [{transform_indices = @transform_0, window_bounds = array<i64: 2048, 128>}, {pipeline_mode = #tpu.pipeline_mode<synchronous>, transform_indices = @transform_1, window_bounds = array<i64: 128, 128>}, {transform_indices = @transform_2, window_bounds = array<i64: 2, 16, 2048>}, {transform_indices = @transform_3, window_bounds = array<i64: 2048, 128>}]} {
    %get3A = arith.constant 0 : index
    %get3A_0 = arith.constant 0 : index
    %get3A_1 = arith.constant 0 : index
    %get3A_2 = vector.load %arg3[%get3A, %get3A_0, %get3A_1] : memref<2x16x2048xf32, #tpu.memory_space<vmem>>, vector<2x16x2048xf32>
    %reduce_sum3A = arith.constant dense<0.000000e+00> : vector<2048xf32>
    %reduce_sum3A_3 = vector.multi_reduction <add>, %get3A_2, %reduce_sum3A [0, 1] : vector<2x16x2048xf32> to vector<2048xf32>
    %broadcast_in_dim3A = vector.shape_cast %reduce_sum3A_3 : vector<2048xf32> to vector<2048x1xf32>
    %add3A = arith.constant 1.000000e+00 : f32
    %add3A_4 = vector.broadcast %add3A : f32 to vector<2048x1xf32>
    %add3A_5 = arith.addf %broadcast_in_dim3A, %add3A_4 : vector<2048x1xf32>
    %rsqrt3A = math.rsqrt %add3A_5 : vector<2048x1xf32>
    %get3A_6 = arith.constant 0 : index
    %get3A_7 = arith.constant 0 : index
    %get3A_8 = vector.load %arg1[%get3A_6, %get3A_7] : memref<2048x128xf32, #tpu.memory_space<vmem>>, vector<2048x128xf32>
    %get3A_9 = arith.constant 0 : index
    %get3A_10 = arith.constant 0 : index
    %get3A_11 = vector.load %arg2[%get3A_9, %get3A_10] : memref<128x128xf32, #tpu.memory_space<vmem>>, vector<128x128xf32>
    %dot_general3A = arith.constant dense<0.000000e+00> : vector<2048x128xf32>
    %dot_general3A_12 = tpu.matmul %get3A_8, %get3A_11, %dot_general3A {dimension_numbers = #tpu.dot_dimension_numbers<[1], [0], [0], [1], [0, 0, 1, 1], [], []>, transpose_lhs_hint = false} : vector<2048x128xf32>, vector<128x128xf32>, vector<2048x128xf32> -> vector<2048x128xf32>
    %mul3A = vector.broadcast %rsqrt3A : vector<2048x1xf32> to vector<2048x128xf32>
    %mul3A_13 = arith.mulf %dot_general3A_12, %mul3A : vector<2048x128xf32>
    %swap3A = arith.constant 0 : index
    %swap3A_14 = arith.constant 0 : index
    %swap3A_15 = vector.load %arg4[%swap3A, %swap3A_14] : memref<2048x128xf32, #tpu.memory_space<vmem>>, vector<2048x128xf32>
    tpu.vector_store %arg4[%swap3A, %swap3A_14], %mul3A_13 {strides = array<i32>} : memref<2048x128xf32, #tpu.memory_space<vmem>>, vector<2048x128xf32>,
    return
  }
  func.func @transform_0(%arg0: i32) -> (i32, i32) {
    %c0_i32 = arith.constant 0 : i32
    %c0_i32_0 = arith.constant 0 : i32
    return %arg0, %c0_i32 : i32, i32
  }
  func.func @transform_1(%arg0: i32) -> (i32, i32) {
    %c0_i32 = arith.constant 0 : i32
    %c0_i32_0 = arith.constant 0 : i32
    %c0_i32_1 = arith.constant 0 : i32
    return %c0_i32, %c0_i32_0 : i32, i32
  }
  func.func @transform_2(%arg0: i32) -> (i32, i32, i32) {
    %c0_i32 = arith.constant 0 : i32
    %c0_i32_0 = arith.constant 0 : i32
    %c0_i32_1 = arith.constant 0 : i32
    return %c0_i32, %c0_i32_0, %arg0 : i32, i32, i32
  }
  func.func @transform_3(%arg0: i32) -> (i32, i32) {
    %c0_i32 = arith.constant 0 : i32
    %c0_i32_0 = arith.constant 0 : i32
    return %arg0, %c0_i32 : i32, i32
  }
}

module attributes {stable_mosaic.version = 14 : i64} {
  func.func @_tc2_body(%arg0: i32, %arg1: memref<2048x128xf32, #tpu.memory_space<vmem>>, %arg2: memref<2048x128xf32, #tpu.memory_space<vmem>>, %arg3: memref<2x16x2048xf32, #tpu.memory_space<vmem>>, %arg4: memref<1x128xf32, #tpu.memory_space<vmem>>, %arg5: memref<128x64xf32, #tpu.memory_space<vmem>>, %arg6: memref<2048x128xf32, #tpu.memory_space<vmem>>) attributes {dimension_semantics = [#tpu.dimension_semantics<arbitrary>], iteration_bounds = array<i64: 5>, scalar_prefetch = 0 : i64, scratch_operands = 0 : i64, tpu.core_type = #tpu.core_type<tc>, window_params = [{transform_indices = @transform_0, window_bounds = array<i64: 2048, 128>}, {transform_indices = @transform_1, window_bounds = array<i64: 2048, 128>}, {transform_indices = @transform_2, window_bounds = array<i64: 2, 16, 2048>}, {pipeline_mode = #tpu.pipeline_mode<synchronous>, transform_indices = @transform_3, window_bounds = array<i64: 1, 128>}, {pipeline_mode = #tpu.pipeline_mode<synchronous>, transform_indices = @transform_4, window_bounds = array<i64: 128, 64>}, {transform_indices = @transform_5, window_bounds = array<i64: 2048, 128>}]} {
    %get3A = arith.constant 0 : index
    %get3A_0 = arith.constant 0 : index
    %get3A_1 = arith.constant 0 : index
    %get3A_2 = vector.load %arg3[%get3A, %get3A_0, %get3A_1] : memref<2x16x2048xf32, #tpu.memory_space<vmem>>, vector<2x16x2048xf32>
    %reduce_sum3A = arith.constant dense<0.000000e+00> : vector<2048xf32>
    %reduce_sum3A_3 = vector.multi_reduction <add>, %get3A_2, %reduce_sum3A [0, 1] : vector<2x16x2048xf32> to vector<2048xf32>
    %broadcast_in_dim3A = vector.shape_cast %reduce_sum3A_3 : vector<2048xf32> to vector<2048x1xf32>
    %add3A = arith.constant 1.000000e+00 : f32
    %add3A_4 = vector.broadcast %add3A : f32 to vector<2048x1xf32>
    %add3A_5 = arith.addf %broadcast_in_dim3A, %add3A_4 : vector<2048x1xf32>
    %rsqrt3A = math.rsqrt %add3A_5 : vector<2048x1xf32>
    %get3A_6 = arith.constant 0 : index
    %get3A_7 = arith.constant 0 : index
    %get3A_8 = vector.load %arg1[%get3A_6, %get3A_7] : memref<2048x128xf32, #tpu.memory_space<vmem>>, vector<2048x128xf32>
    %get3A_9 = arith.constant 0 : index
    %get3A_10 = arith.constant 0 : index
    %get3A_11 = vector.load %arg2[%get3A_9, %get3A_10] : memref<2048x128xf32, #tpu.memory_space<vmem>>, vector<2048x128xf32>
    %add3A_12 = arith.addf %get3A_8, %get3A_11 : vector<2048x128xf32>
    %mul3A = vector.broadcast %rsqrt3A : vector<2048x1xf32> to vector<2048x128xf32>
    %mul3A_13 = arith.mulf %add3A_12, %mul3A : vector<2048x128xf32>
    %get3A_14 = arith.constant 0 : index
    %get3A_15 = arith.constant 0 : index
    %get3A_16 = vector.load %arg4[%get3A_14, %get3A_15] : memref<1x128xf32, #tpu.memory_space<vmem>>, vector<1x128xf32>
    %add3A_17 = vector.broadcast %get3A_16 : vector<1x128xf32> to vector<2048x128xf32>
    %add3A_18 = arith.addf %mul3A_13, %add3A_17 : vector<2048x128xf32>
    %max3A = arith.constant 0.000000e+00 : f32
    %max3A_19 = vector.broadcast %max3A : f32 to vector<2048x128xf32>
    %max3A_20 = arith.maximumf %add3A_18, %max3A_19 : vector<2048x128xf32>
    %get3A_21 = arith.constant 0 : index
    %get3A_22 = arith.constant 0 : index
    %get3A_23 = vector.load %arg5[%get3A_21, %get3A_22] : memref<128x64xf32, #tpu.memory_space<vmem>>, vector<128x64xf32>
    %dot_general3A = arith.constant dense<0.000000e+00> : vector<2048x64xf32>
    %dot_general3A_24 = tpu.matmul %max3A_20, %get3A_23, %dot_general3A {dimension_numbers = #tpu.dot_dimension_numbers<[1], [0], [0], [1], [0, 0, 1, 1], [], []>, transpose_lhs_hint = false} : vector<2048x128xf32>, vector<128x64xf32>, vector<2048x64xf32> -> vector<2048x64xf32>
    %mul3A_25 = vector.broadcast %rsqrt3A : vector<2048x1xf32> to vector<2048x64xf32>
    %mul3A_26 = arith.mulf %dot_general3A_24, %mul3A_25 : vector<2048x64xf32>
    %broadcast_in_dim3A_27 = arith.constant 0.000000e+00 : f32
    %broadcast_in_dim3A_28 = vector.broadcast %broadcast_in_dim3A_27 : f32 to vector<2048x64xf32>
    %concatenate3A = tpu.concatenate %mul3A_26, %broadcast_in_dim3A_28 in 1 : vector<2048x64xf32>, vector<2048x64xf32> -> vector<2048x128xf32>
    %swap3A = arith.constant 0 : index
    %swap3A_29 = arith.constant 0 : index
    %swap3A_30 = vector.load %arg6[%swap3A, %swap3A_29] : memref<2048x128xf32, #tpu.memory_space<vmem>>, vector<2048x128xf32>
    tpu.vector_store %arg6[%swap3A, %swap3A_29], %concatenate3A {strides = array<i32>} : memref<2048x128xf32, #tpu.memory_space<vmem>>, vector<2048x128xf32>,
    return
  }
  func.func @transform_0(%arg0: i32) -> (i32, i32) {
    %c0_i32 = arith.constant 0 : i32
    %c0_i32_0 = arith.constant 0 : i32
    return %arg0, %c0_i32 : i32, i32
  }
  func.func @transform_1(%arg0: i32) -> (i32, i32) {
    %c0_i32 = arith.constant 0 : i32
    %c0_i32_0 = arith.constant 0 : i32
    return %arg0, %c0_i32 : i32, i32
  }
  func.func @transform_2(%arg0: i32) -> (i32, i32, i32) {
    %c0_i32 = arith.constant 0 : i32
    %c0_i32_0 = arith.constant 0 : i32
    %c0_i32_1 = arith.constant 0 : i32
    return %c0_i32, %c0_i32_0, %arg0 : i32, i32, i32
  }
  func.func @transform_3(%arg0: i32) -> (i32, i32) {
    %c0_i32 = arith.constant 0 : i32
    %c0_i32_0 = arith.constant 0 : i32
    %c0_i32_1 = arith.constant 0 : i32
    return %c0_i32, %c0_i32_0 : i32, i32
  }
  func.func @transform_4(%arg0: i32) -> (i32, i32) {
    %c0_i32 = arith.constant 0 : i32
    %c0_i32_0 = arith.constant 0 : i32
    %c0_i32_1 = arith.constant 0 : i32
    return %c0_i32, %c0_i32_0 : i32, i32
  }
  func.func @transform_5(%arg0: i32) -> (i32, i32) {
    %c0_i32 = arith.constant 0 : i32
    %c0_i32_0 = arith.constant 0 : i32
    return %arg0, %c0_i32 : i32, i32
  }
}

module attributes {stable_mosaic.version = 14 : i64} {
  func.func @_tc3_body(%arg0: i32, %arg1: memref<2048x128xf32, #tpu.memory_space<vmem>>, %arg2: memref<2048x128xf32, #tpu.memory_space<vmem>>, %arg3: memref<2x16x2048xf32, #tpu.memory_space<vmem>>, %arg4: memref<1x64xf32, #tpu.memory_space<vmem>>, %arg5: memref<64x1xf32, #tpu.memory_space<vmem>>, %arg6: memref<1x1xf32, #tpu.memory_space<vmem>>, %arg7: memref<2048x1xf32, #tpu.memory_space<vmem>>) attributes {dimension_semantics = [#tpu.dimension_semantics<arbitrary>], iteration_bounds = array<i64: 5>, scalar_prefetch = 0 : i64, scratch_operands = 0 : i64, tpu.core_type = #tpu.core_type<tc>, window_params = [{transform_indices = @transform_0, window_bounds = array<i64: 2048, 128>}, {transform_indices = @transform_1, window_bounds = array<i64: 2048, 128>}, {transform_indices = @transform_2, window_bounds = array<i64: 2, 16, 2048>}, {pipeline_mode = #tpu.pipeline_mode<synchronous>, transform_indices = @transform_3, window_bounds = array<i64: 1, 64>}, {pipeline_mode = #tpu.pipeline_mode<synchronous>, transform_indices = @transform_4, window_bounds = array<i64: 64, 1>}, {pipeline_mode = #tpu.pipeline_mode<synchronous>, transform_indices = @transform_5, window_bounds = array<i64: 1, 1>}, {transform_indices = @transform_6, window_bounds = array<i64: 2048, 1>}]} {
    %get3A = arith.constant 0 : index
    %get3A_0 = arith.constant 0 : index
    %get3A_1 = arith.constant 0 : index
    %get3A_2 = vector.load %arg3[%get3A, %get3A_0, %get3A_1] : memref<2x16x2048xf32, #tpu.memory_space<vmem>>, vector<2x16x2048xf32>
    %reduce_sum3A = arith.constant dense<0.000000e+00> : vector<2048xf32>
    %reduce_sum3A_3 = vector.multi_reduction <add>, %get3A_2, %reduce_sum3A [0, 1] : vector<2x16x2048xf32> to vector<2048xf32>
    %broadcast_in_dim3A = vector.shape_cast %reduce_sum3A_3 : vector<2048xf32> to vector<2048x1xf32>
    %add3A = arith.constant 1.000000e+00 : f32
    %add3A_4 = vector.broadcast %add3A : f32 to vector<2048x1xf32>
    %add3A_5 = arith.addf %broadcast_in_dim3A, %add3A_4 : vector<2048x1xf32>
    %rsqrt3A = math.rsqrt %add3A_5 : vector<2048x1xf32>
    %get3A_6 = arith.constant 0 : index
    %get3A_7 = arith.constant 0 : index
    %get3A_8 = vector.load %arg1[%get3A_6, %get3A_7] : memref<2048x128xf32, #tpu.memory_space<vmem>>, vector<2048x64xf32>
    %get3A_9 = arith.constant 0 : index
    %get3A_10 = arith.constant 0 : index
    %get3A_11 = vector.load %arg2[%get3A_9, %get3A_10] : memref<2048x128xf32, #tpu.memory_space<vmem>>, vector<2048x64xf32>
    %add3A_12 = arith.addf %get3A_8, %get3A_11 : vector<2048x64xf32>
    %mul3A = vector.broadcast %rsqrt3A : vector<2048x1xf32> to vector<2048x64xf32>
    %mul3A_13 = arith.mulf %add3A_12, %mul3A : vector<2048x64xf32>
    %get3A_14 = arith.constant 0 : index
    %get3A_15 = arith.constant 0 : index
    %get3A_16 = vector.load %arg4[%get3A_14, %get3A_15] : memref<1x64xf32, #tpu.memory_space<vmem>>, vector<1x64xf32>
    %add3A_17 = vector.broadcast %get3A_16 : vector<1x64xf32> to vector<2048x64xf32>
    %add3A_18 = arith.addf %mul3A_13, %add3A_17 : vector<2048x64xf32>
    %max3A = arith.constant 0.000000e+00 : f32
    %max3A_19 = vector.broadcast %max3A : f32 to vector<2048x64xf32>
    %max3A_20 = arith.maximumf %add3A_18, %max3A_19 : vector<2048x64xf32>
    %get3A_21 = arith.constant 0 : index
    %get3A_22 = arith.constant 0 : index
    %get3A_23 = vector.load %arg5[%get3A_21, %get3A_22] : memref<64x1xf32, #tpu.memory_space<vmem>>, vector<64x1xf32>
    %dot_general3A = arith.constant dense<0.000000e+00> : vector<2048x1xf32>
    %dot_general3A_24 = tpu.matmul %max3A_20, %get3A_23, %dot_general3A {dimension_numbers = #tpu.dot_dimension_numbers<[1], [0], [0], [1], [0, 0, 1, 1], [], []>, transpose_lhs_hint = false} : vector<2048x64xf32>, vector<64x1xf32>, vector<2048x1xf32> -> vector<2048x1xf32>
    %get3A_25 = arith.constant 0 : index
    %get3A_26 = arith.constant 0 : index
    %get3A_27 = vector.load %arg6[%get3A_25, %get3A_26] : memref<1x1xf32, #tpu.memory_space<vmem>>, vector<1x1xf32>
    %add3A_28 = vector.broadcast %get3A_27 : vector<1x1xf32> to vector<2048x1xf32>
    %add3A_29 = arith.addf %dot_general3A_24, %add3A_28 : vector<2048x1xf32>
    %swap3A = arith.constant 0 : index
    %swap3A_30 = arith.constant 0 : index
    %swap3A_31 = vector.load %arg7[%swap3A, %swap3A_30] : memref<2048x1xf32, #tpu.memory_space<vmem>>, vector<2048x1xf32>
    tpu.vector_store %arg7[%swap3A, %swap3A_30], %add3A_29 {strides = array<i32>} : memref<2048x1xf32, #tpu.memory_space<vmem>>, vector<2048x1xf32>,
    return
  }
  func.func @transform_0(%arg0: i32) -> (i32, i32) {
    %c0_i32 = arith.constant 0 : i32
    %c0_i32_0 = arith.constant 0 : i32
    return %arg0, %c0_i32 : i32, i32
  }
  func.func @transform_1(%arg0: i32) -> (i32, i32) {
    %c0_i32 = arith.constant 0 : i32
    %c0_i32_0 = arith.constant 0 : i32
    return %arg0, %c0_i32 : i32, i32
  }
  func.func @transform_2(%arg0: i32) -> (i32, i32, i32) {
    %c0_i32 = arith.constant 0 : i32
    %c0_i32_0 = arith.constant 0 : i32
    %c0_i32_1 = arith.constant 0 : i32
    return %c0_i32, %c0_i32_0, %arg0 : i32, i32, i32
  }
  func.func @transform_3(%arg0: i32) -> (i32, i32) {
    %c0_i32 = arith.constant 0 : i32
    %c0_i32_0 = arith.constant 0 : i32
    %c0_i32_1 = arith.constant 0 : i32
    return %c0_i32, %c0_i32_0 : i32, i32
  }
  func.func @transform_4(%arg0: i32) -> (i32, i32) {
    %c0_i32 = arith.constant 0 : i32
    %c0_i32_0 = arith.constant 0 : i32
    %c0_i32_1 = arith.constant 0 : i32
    return %c0_i32, %c0_i32_0 : i32, i32
  }
  func.func @transform_5(%arg0: i32) -> (i32, i32) {
    %c0_i32 = arith.constant 0 : i32
    %c0_i32_0 = arith.constant 0 : i32
    %c0_i32_1 = arith.constant 0 : i32
    return %c0_i32, %c0_i32_0 : i32, i32
  }
  func.func @transform_6(%arg0: i32) -> (i32, i32) {
    %c0_i32 = arith.constant 0 : i32
    %c0_i32_0 = arith.constant 0 : i32
    return %arg0, %c0_i32 : i32, i32
  }
}

</mosaic_0001>

<sc_bundles>
// kernel: kernel.11.cloned.1.call-start
scs
__scs_entry_jumppad:
0x0: {  	(pc) =	sbr.rel $0x88, $3  }
0x1: {  	(tag) =	ssettag $0x0;
	lr =	simm.s32 $0x1  }
0x2: {  	[smem:$0x3F99] =	sst lr;
	_ =	strace $0xD0000000  }
0x3: {  	_ = 	snop  }
0x4: {  	_ = 	snop  }
0x5: {  	_ = 	snop  }
0x6: {  	_ = 	snop  }
0x7: {  	_ = 	snop  }
__scs_overlays_trampoline_lowered:
0x8: {  	[smem:$0x3FA8] =	sst s0  }
0x9: {  	[smem:$0x3FA9] =	sst s1  }
0xa: {  	[smem:$0x3FAA] =	sst s2  }
0xb: {  	[smem:$0x3FAB] =	sst s3  }
0xc: {  	[smem:$0x3FAC] =	sst s4  }
0xd: {  	[smem:$0x3FAD] =	sst s5  }
0xe: {  	[smem:$0x3FAE] =	sst s6  }
0xf: {  	[smem:$0x3FAF] =	sst s7  }
0x10: {  	[smem:$0x3FB0] =	sst s8  }
0x11: {  	[smem:$0x3FB1] =	sst s9;
	s0 =	simm.s32 @!p0 $0x0  }
0x12: {  	s1 =	sld [smem:$0x3F97];
	s0 =	simm.s32 @p0 $0x1  }
0x13: {  	[smem:$0x3FB2] =	sst s0;
	s0 =	simm.s32 @!p1 $0x0  }
0x14: {  	s2 =	sld [smem:$0x3F96];
	s0 =	simm.s32 @p1 $0x1  }
0x15: {  	[smem:$0x3FB3] =	sst s0;
	s0 =	simm.s32 @!p2 $0x0  }
0x16: {  	s3 =	sld [smem:$0x3FDB];
	s0 =	simm.s32 @p2 $0x1  }
0x17: {  	s4 =	simm.s32 $0x1BF5;
	[smem:$0x3FB5] =	sst s0  }
0x18: {  	s0 =	sld [smem:$0x3F98];
	_ =	swait.ge [sflag:s4], $0x0  }
0x19: {  	s7 =	sld [smem:$0x3F99]  }
0x1a: {  	s8 =	sadd.s32 $0xFFFFE003, lr  }
0x1b: {  	s9 =	sadd.s32 $0xFFFFFEF7, lr;
	s5 =	simm.s32 $0xFFFFFFFF;
	p2 =	slt.u32 s8, $0xFFFFF086  }
0x1c: {  	p1 =	slt.u32 s9, $0xF7A;
	s5 =	simm.s32 @!p2 $0x0  }
0x1d: {  	s5 =	simm.s32 @p1 $0x1;
	p0 =	seq.s32 s7, s2  }
0x1e: {  	s7 =	smul.u32 @!p0 $0xF7A, s2;
	p2 =	seq.s32 @!p0 s5, $0x0  }
0x1f: {  	s9 =	smul.u32 $0xF7A, s1;
	s8 =	simm.s32 @!p0 $0x1BF5;
	p2 =	por !p2, p0  }
0x20: {  	[sflag:s8] =	ssyncset.s32 @!p0 $0xFFFFF086;
	s6 =	sadd.s32 @!p0 s3, s7;
	s7 =	simm.s32 @!p0 $0x108  }
0x21: {  	s3 =	sadd.s32 s3, s9;
	s6 =	sadd.s32 @!p0 $0x88, s6;
	s7 =	simm.s32 @p2 $0x1082  }
0x22: {  	[simem:s7], [sflag:s8] =	dma.local @!p0 [hbm:s6], $0xF7A  }
0x23: {  	s9 =	sor.u32 $0xD0000000, s2;
	s6 =	simm.s32 $0x108;
	_ =	swait.ge @!p0 [sflag:s8], $0x0  }
0x24: {  	s3 =	sadd.s32 $0x88, s3;
	s6 =	simm.s32 @!p1 $0x1082;
	[sflag:s4] =	ssyncset.s32 $0xFFFFF086  }
0x25: {  	[simem:s6], [sflag:s4] =	dma.local [hbm:s3], $0xF7A  }
0x26: {  	[smem:$0x3F99] =	sst s1;
	(tag) =	ssettag s2;
	_ =	strace s9  }
0x27: {  	s1 =	sld [smem:$0x3FA9]  }
0x28: {  	s2 =	sld [smem:$0x3FAA]  }
0x29: {  	s4 =	sld [smem:$0x3FAC]  }
0x2a: {  	p0 =	seq.s32 s5, $0x0;
	s5 =	sld [smem:$0x3FAD]  }
0x2b: {  	s6 =	sld [smem:$0x3FAE]  }
0x2c: {  	s7 =	sld [smem:$0x3FAF]  }
0x2d: {  	s3 =	simm.s32 $0x108;
	s8 =	sld [smem:$0x3FB0]  }
0x2e: {  	s3 =	simm.s32 @!p0 $0x1082;
	s9 =	sld [smem:$0x3FB1]  }
0x2f: {  	lr =	sadd.s32 s0, s3;
	s0 =	sld [smem:$0x3FA8]  }
0x30: {  	s3 =	sld [smem:$0x3FAB]  }
0x31: {  	[smem:$0x3FB4] =	sst s10  }
0x32: {  	s10 =	sld [smem:$0x3FB2];
	_ =	sdelay $0x3  }
0x33: {  	p0 =	seq.s32 s10, $0x1;
	s10 =	sld [smem:$0x3FB4];
	_ =	sdelay $0x3  }
0x34: {  	[smem:$0x3FB4] =	sst s10  }
0x35: {  	s10 =	sld [smem:$0x3FB3];
	_ =	sdelay $0x3  }
0x36: {  	p1 =	seq.s32 s10, $0x1;
	s10 =	sld [smem:$0x3FB4];
	_ =	sdelay $0x3  }
0x37: {  	[smem:$0x3FB4] =	sst s10  }
0x38: {  	s10 =	sld [smem:$0x3FB5]  }
0x39: {  	_ = 	snop;
	(pc) =	sbr.ind lr, $3  }
0x3a: {  	_ = 	snop  }
0x3b: {  	_ = 	snop  }
0x3c: {  	p2 =	seq.s32 s10, $0x1;
	s10 =	sld [smem:$0x3FB4]  }
0x3d: {  	_ =	shalt  }
0x3e: {  	_ =	shalt  }
0x3f: {  	_ =	shalt  }
0x40: {  	_ =	shalt  }
0x41: {  	_ =	shalt  }
0x42: {  	_ =	shalt  }
0x43: {  	_ =	shalt  }
0x44: {  	_ =	shalt  }
0x45: {  	_ =	shalt  }
0x46: {  	_ =	shalt  }
0x47: {  	_ =	shalt  }
0x48: {  	_ =	shalt  }
0x49: {  	_ =	shalt  }
0x4a: {  	_ =	shalt  }
0x4b: {  	_ =	shalt  }
0x4c: {  	_ =	shalt  }
0x4d: {  	_ =	shalt  }
0x4e: {  	_ =	shalt  }
0x4f: {  	_ =	shalt  }
0x50: {  	_ =	shalt  }
0x51: {  	_ =	shalt  }
0x52: {  	_ =	shalt  }
0x53: {  	_ =	shalt  }
0x54: {  	_ =	shalt  }
0x55: {  	_ =	shalt  }
0x56: {  	_ =	shalt  }
0x57: {  	_ =	shalt  }
0x58: {  	_ =	shalt  }
0x59: {  	_ =	shalt  }
0x5a: {  	_ =	shalt  }
0x5b: {  	_ =	shalt  }
0x5c: {  	_ =	shalt  }
0x5d: {  	_ =	shalt  }
0x5e: {  	_ =	shalt  }
0x5f: {  	_ =	shalt  }
0x60: {  	_ =	shalt  }
0x61: {  	_ =	shalt  }
0x62: {  	_ =	shalt  }
0x63: {  	_ =	shalt  }
0x64: {  	_ =	shalt  }
0x65: {  	_ =	shalt  }
0x66: {  	_ =	shalt  }
0x67: {  	_ =	shalt  }
0x68: {  	_ =	shalt  }
0x69: {  	_ =	shalt  }
0x6a: {  	_ =	shalt  }
0x6b: {  	_ =	shalt  }
0x6c: {  	_ =	shalt  }
0x6d: {  	_ =	shalt  }
0x6e: {  	_ =	shalt  }
0x6f: {  	_ =	shalt  }
0x70: {  	_ =	shalt  }
0x71: {  	_ =	shalt  }
0x72: {  	_ =	shalt  }
0x73: {  	_ =	shalt  }
0x74: {  	_ =	shalt  }
0x75: {  	_ =	shalt  }
0x76: {  	_ =	shalt  }
0x77: {  	_ =	shalt  }
0x78: {  	_ =	shalt  }
0x79: {  	_ =	shalt  }
0x7a: {  	_ =	shalt  }
0x7b: {  	_ =	shalt  }
0x7c: {  	_ =	shalt  }
0x7d: {  	_ =	shalt  }
0x7e: {  	_ =	shalt  }
0x7f: {  	_ =	shalt  }
0x80: {  	_ =	shalt  }
0x81: {  	_ =	shalt  }
0x82: {  	_ =	shalt  }
0x83: {  	_ =	shalt  }
0x84: {  	_ =	shalt  }
0x85: {  	_ =	shalt  }
0x86: {  	_ =	shalt  }
0x87: {  	_ =	shalt  }
.Lfunc_end0:
.L_simem_size_0:
called_computation.1_lowered:
.L_overlay_start_0:
0x88: {  	s2 =	sld [smem:$0x3FD9]  }
0x89: {  	s3 =	sld [smem:$0x3FFE];
	_ =	sdelay $0x1  }
0x8a: {  	s1 =	srdreg.scid  }
0x8b: {  	s0 =	sand.u32 $0x1, s1  }
0x8c: {  	s16 =	sshll.u32 s0, $0xA;
	s2 =	sadd.s32 s3, s2  }
0x8d: {  	s2 =	sadd.s32 s2, s16  }
0x8e: {  	[smem:$0x3FC0] =	sst s2  }
0x8f: {  	_ = 	snop  }
0x90: {  	(tm) =	ssettm $0x1  }
0x91: {  	s17 =	sld [smem:$0x3FFB];
	_ =	sdelay $0x3  }
0x92: {  	_ =	strace s17  }
0x93: {  	s2 =	sld [smem:$0x3FFC];
	_ =	sdelay $0x3  }
0x94: {  	_ =	strace s2  }
0x95: {  	s2 =	sld [smem:$0x3FFD];
	_ =	sdelay $0x3  }
0x96: {  	_ =	strace s2  }
0x97: {  	_ =	strace $0x8FFFFFFF  }
0x98: {  	s18 =	sld [smem:$0x3FDB];
	_ =	sdelay $0x1  }
0x99: {  	s19 =	simm.s32 $_scs_section_size  }
0x9a: {  	s4 =	simm.s32 $_size__tile_overlayer_lowered;
	s5 =	simm.s32 $_tile_overlayer_lowered  }
0x9b: {  	s22 =	simm.s32 $0x1BFF;
	s21 =	sshll.u32 s5, $0x1;
	s2 =	sadd.s32 s19, s18  }
0x9c: {  	s6 =	simm.s32 $0x0;
	s20 =	sshll.u32 s4, $0x1;
	s4 =	sadd.s32 s21, s2  }
0x9d: {  	[timem:s6], [sflag:s22] =	dma.local [hbm:s4], s20  }
0x9e: {  	_ =	swait.ge [sflag:s22], s20  }
0x9f: {  	s3 =	ssub.s32 $0x0, s20;
	[sflag:s22] =	ssyncset.done $0x0  }
0xa0: {  	[sflag:s22] =	ssyncadd.s32 s3;
	_ =	sdelay $0x1  }
0xa1: {  	s23 =	simm.s32 $0x1B8B  }
0xa2: {  	_ =	swait.ge [sflag:s23], $0x1  }
0xa3: {  	[sflag:s23] =	ssyncset.done $0x0  }
0xa4: {  	s25 =	simm.s32 $0x1B8E;
	s24 =	sld [smem:$0x3FFE];
	[sflag:s23] =	ssyncadd.s32 $0xFFFFFFFF  }
0xa5: {  	s26 =	simm.s32 $execute0_lowered;
	[smem:$0x3FD2] =	sst s25  }
0xa6: {  	s4 =	sshll.u32 s26, $0x1;
	_ =	strace $0x80000049;
	[dreg:$0x1] =	wrdreg $0xFFFFFFFF  }
0xa7: {  	s28 =	simm.s32 $_size_execute0_lowered;
	s2 =	sadd.s32 s2, s4;
	[dreg:$0x0] =	wrdreg $0x0  }
0xa8: {  	s4 =	sshll.u32 s28, $0x1;
	[dreg:$0x2] =	wrdreg s2  }
0xa9: {  	[dreg:$0x3] =	wrdreg s4  }
0xaa: {  	[dreg:$0x4] =	wrdreg $0xC0  }
0xab: {  	_ =	task [dreg:s6], $0x5FFFF  }
0xac: {  	[dreg:$0x1] =	wrdreg $0xFFFFFFFF  }
0xad: {  	[dreg:$0x0] =	wrdreg $0x60  }
0xae: {  	[dreg:$0x2] =	wrdreg s24  }
0xaf: {  	[dreg:$0x3] =	wrdreg $0x120000  }
0xb0: {  	[dreg:$0x4] =	wrdreg $0x9  }
0xb1: {  	_ =	task.clear_ibuf [dreg:s6], $0x5FFFF;
	_ =	strace $0x90000049  }
0xb2: {  	s29 =	simm.s32 $0x9;
	_ =	strace $0x8000004B  }
0xb3: {  	_ =	swait.ge [sflag:s29], $0x1  }
0xb4: {  	[sflag:s29] =	ssyncadd.s32 $0xFFFFFFFF  }
0xb5: {  	_ =	strace $0x9000004B  }
0xb6: {  	_ =	sfence  }
0xb7: {  	s30 =	sld [smem:$0x0];
	_ =	sdelay $0x2  }
0xb8: {  	s31 =	sshll.u32 s1, $0xD;
	s1 =	sshrl.u32 s1, $0x2  }
0xb9: {  	s3 =	sand.u32 $0x4000, s31;
	s1 =	sadd.s32 s1, s30  }
0xba: {  	s0 =	sor.u32 s3, s0;
	s1 =	sshll.u32 s1, $0x11  }
0xbb: {  	s0 =	sor.u32 s1, s0  }
0xbc: {  	s0 =	sadd.s32 $0x8F2B, s0  }
0xbd: {  	[sflag:s0] =	ssyncadd.remote.s32 $0x1  }
0xbe: {  	_ =	sfence.sel $0xFFFF  }
0xbf: {  	[dreg:$0x0] =	wrdreg $0xFFFFFFFF;
	(pc) =	sbr.abs _section_cstart, $3  }
0xc0: {  	[dreg:$0x1] =	wrdreg $0xFFFFFFFF  }
0xc1: {  	_ =	task.clear_ibuf [dreg:s6], $0x2FFFF;
	_ =	strace $0x9FFFFFFF  }
0xc2: {  	(tm) =	ssettm $0x7FFFFFFF  }
0xc3: {  	_ =	shalt  }
tec
execute0_lowered:
.L_overlay_start_1:
0x0: {  	(tag) =	ssettag $0x1  }
0x1: {  	s0 =	srdreg.scid  }
0x2: {  	s1 =	rddreg [dreg:$0x0];
	s10 =	stileid.u32;
	s31 =	simm.s32 $0x3  }
0x3: {  	s2 =	sand.u32 $0x1, s0;
	s0 =	simm.s32 $0x0;
	s4 =	smul.u32 $0x5000, s10  }
0x4: {  	s5 =	sadd.s32 $0x17800, s1;
	s6 =	smul.u32 $0xA000, s10;
	s8 =	sadd.s32 $0x2400, s1  }
0x5: {  	p0 =	sne.s32 s10, $0x0;
	s3 =	smul.u32 $0xA0000, s2;
	s7 =	ssub.s32 $0x2, s2  }
0x6: {  	[smem:$0x7FF] =	sst s0;
	s9 =	sshrl.u32 s7, $0x1;
	s4 =	sshrl.u32 s4, $0x3  }
0x7: {  	s3 =	sadd.s32 s6, s3;
	s6 =	ssub.s32 s7, s9;
	s14 =	sor.u32 $0x100, s4  }
0x8: {  	s15 =	sadd.s32 s5, s4;
	s17 =	sadd.s32 $0x200, s4;
	s19 =	sadd.s32 $0x300, s4  }
0x9: {  	s21 =	sadd.s32 $0x400, s4;
	s23 =	sadd.s32 $0x500, s4;
	s24 =	sadd.s32 $0x600, s4  }
0xa: {  	s25 =	sadd.s32 $0x700, s4;
	s26 =	sadd.s32 $0x800, s4;
	[dreg:$0x3] =	wrdreg s15  }
0xb: {  	s16 =	sadd.s32 s5, s14;
	s7 =	sadd.s32 s8, s14;
	s18 =	sadd.s32 s5, s17  }
0xc: {  	s9 =	sadd.s32 s8, s17;
	s20 =	sadd.s32 s5, s19;
	s22 =	sadd.s32 s5, s21  }
0xd: {  	s11 =	sadd.s32 s5, s23;
	s12 =	sadd.s32 s8, s23;
	[dreg:$0x4] =	wrdreg s16  }
0xe: {  	s13 =	sadd.s32 s5, s24;
	s14 =	sadd.s32 s8, s24;
	[dreg:$0x5] =	wrdreg s7  }
0xf: {  	s15 =	sadd.s32 s5, s25;
	s17 =	sadd.s32 s5, s26;
	[dreg:$0x6] =	wrdreg s18  }
0x10: {  	s3 =	sshrl.u32 s3, $0x3;
	s24 =	sadd.s32 $0x21800, s1;
	[dreg:$0x7] =	wrdreg s9  }
0x11: {  	s29 =	smax.u32 s6, $0x1;
	[dreg:$0x8] =	wrdreg s20;
	s7 =	sadd.s32 s8, s19  }
0x12: {  	[dreg:$0xa] =	wrdreg s22;
	s9 =	sadd.s32 s8, s21;
	s16 =	sadd.s32 s8, s25  }
0x13: {  	s19 =	sadd.s32 s8, s26;
	s20 =	sadd.s32 s8, s4;
	s21 =	rddreg [dreg:$0x1]  }
0x14: {  	s4 =	sadd.s32 $0x900, s4;
	s3 =	sadd.s32 s3, s1;
	[dreg:$0x9] =	wrdreg s7  }
0x15: {  	s25 =	sadd.s32 $0xC400, s1;
	s18 =	simm.s32 $0xA000;
	[dreg:$0xb] =	wrdreg s9  }
0x16: {  	s22 =	sadd.s32 s5, s4;
	s7 =	smul.u32 $0x28000, s10;
	s23 =	sadd.s32 s8, s4  }
0x17: {  	s9 =	smul.u32 $0x1400, s2;
	s28 =	sadd.s32 $0x48A00, s3;
	s1 =	sadd.s32 $0xA0000, s21  }
0x18: {  	s2 =	simm.s32 $0xE000;
	s3 =	simm.s32 $0x1;
	s4 =	simm.s32 $0x2  }
0x19: {  	s5 =	simm.s32 $0x0;
	_ =	strace $0x8000004A;
	s8 =	sshrl.u32 s7, $0x2  }
0x1a: {  	s30 =	sshrl.u32 @!p0 s1, $0x3;
	s1 =	simm.s32 $0x80;
	v0 =	vmov s9;
	s26 =	sadd.s32 s8, s21  }
.LBB2_1:
0x1b: {  	s6 =	rddreg [dreg:$0x3]  }
0x1c: {  	[tilespmem:s0], [sflag:$0x3] =	stream.linear.gather [hbm4b:s6+s0], $0x800, $0x38;
	[tilespmem:$0x1C040] =	vst v63  }
0x1d: {  	_ =	swait.ge [sflag:s31], $0x800  }
0x1e: {  	[sflag:s31] =	ssyncset.done $0x0  }
0x1f: {  	s7 =	simm.s32 $0x5000;
	[sflag:s31] =	ssyncadd.s32 $0xFFFFF800  }
0x20: {  	[tilespmem:s7], [sflag:$0x3] =	stream.linear.gather [hbm4b:s20+s0], $0x800, $0x38;
	[tilespmem:$0x1C040] =	vst v63  }
0x21: {  	_ =	swait.ge [sflag:s31], $0x800  }
0x22: {  	[sflag:s31] =	ssyncset.done $0x0  }
0x23: {  	s7 =	simm.s32 $0x800;
	s8 =	rddreg [dreg:$0x4];
	[sflag:s31] =	ssyncadd.s32 $0xFFFFF800  }
0x24: {  	[tilespmem:s7], [sflag:$0x3] =	stream.linear.gather [hbm4b:s8+s0], $0x800, $0x38;
	[tilespmem:$0x1C040] =	vst v63  }
0x25: {  	_ =	swait.ge [sflag:s31], $0x800  }
0x26: {  	[sflag:s31] =	ssyncset.done $0x0  }
0x27: {  	s10 =	simm.s32 $0x5800;
	s9 =	rddreg [dreg:$0x5];
	[sflag:s31] =	ssyncadd.s32 $0xFFFFF800  }
0x28: {  	[tilespmem:s10], [sflag:$0x3] =	stream.linear.gather [hbm4b:s9+s0], $0x800, $0x38;
	[tilespmem:$0x1C040] =	vst v63  }
0x29: {  	_ =	swait.ge [sflag:s31], $0x800  }
0x2a: {  	[sflag:s31] =	ssyncset.done $0x0  }
0x2b: {  	s8 =	simm.s32 $0x1000;
	s7 =	rddreg [dreg:$0x6];
	[sflag:s31] =	ssyncadd.s32 $0xFFFFF800  }
0x2c: {  	[tilespmem:s8], [sflag:$0x3] =	stream.linear.gather [hbm4b:s7+s0], $0x800, $0x38;
	[tilespmem:$0x1C040] =	vst v63  }
0x2d: {  	_ =	swait.ge [sflag:s31], $0x800  }
0x2e: {  	[sflag:s31] =	ssyncset.done $0x0  }
0x2f: {  	s10 =	simm.s32 $0x6000;
	s9 =	rddreg [dreg:$0x7];
	[sflag:s31] =	ssyncadd.s32 $0xFFFFF800  }
0x30: {  	[tilespmem:s10], [sflag:$0x3] =	stream.linear.gather [hbm4b:s9+s0], $0x800, $0x38;
	[tilespmem:$0x1C040] =	vst v63  }
0x31: {  	_ =	swait.ge [sflag:s31], $0x800  }
0x32: {  	[sflag:s31] =	ssyncset.done $0x0  }
0x33: {  	s8 =	simm.s32 $0x1800;
	s7 =	rddreg [dreg:$0x8];
	[sflag:s31] =	ssyncadd.s32 $0xFFFFF800  }
0x34: {  	[tilespmem:s8], [sflag:$0x3] =	stream.linear.gather [hbm4b:s7+s0], $0x800, $0x38;
	[tilespmem:$0x1C040] =	vst v63  }
0x35: {  	_ =	swait.ge [sflag:s31], $0x800  }
0x36: {  	[sflag:s31] =	ssyncset.done $0x0  }
0x37: {  	s10 =	simm.s32 $0x6800;
	s9 =	rddreg [dreg:$0x9];
	[sflag:s31] =	ssyncadd.s32 $0xFFFFF800  }
0x38: {  	[tilespmem:s10], [sflag:$0x3] =	stream.linear.gather [hbm4b:s9+s0], $0x800, $0x38;
	[tilespmem:$0x1C040] =	vst v63  }
0x39: {  	_ =	swait.ge [sflag:s31], $0x800  }
0x3a: {  	[sflag:s31] =	ssyncset.done $0x0  }
0x3b: {  	s8 =	simm.s32 $0x2000;
	s7 =	rddreg [dreg:$0xa];
	[sflag:s31] =	ssyncadd.s32 $0xFFFFF800  }
0x3c: {  	[tilespmem:s8], [sflag:$0x3] =	stream.linear.gather [hbm4b:s7+s0], $0x800, $0x38;
	[tilespmem:$0x1C040] =	vst v63  }
0x3d: {  	_ =	swait.ge [sflag:s31], $0x800  }
0x3e: {  	[sflag:s31] =	ssyncset.done $0x0  }
0x3f: {  	s10 =	simm.s32 $0x7000;
	s9 =	rddreg [dreg:$0xb];
	[sflag:s31] =	ssyncadd.s32 $0xFFFFF800  }
0x40: {  	[tilespmem:s10], [sflag:$0x3] =	stream.linear.gather [hbm4b:s9+s0], $0x800, $0x38;
	[tilespmem:$0x1C040] =	vst v63  }
0x41: {  	_ =	swait.ge [sflag:s31], $0x800  }
0x42: {  	[sflag:s31] =	ssyncset.done $0x0  }
0x43: {  	s8 =	simm.s32 $0x2800;
	[sflag:s31] =	ssyncadd.s32 $0xFFFFF800  }
0x44: {  	[tilespmem:s8], [sflag:$0x3] =	stream.linear.gather [hbm4b:s11+s0], $0x800, $0x38;
	[tilespmem:$0x1C040] =	vst v63  }
0x45: {  	_ =	swait.ge [sflag:s31], $0x800  }
0x46: {  	[sflag:s31] =	ssyncset.done $0x0  }
0x47: {  	s9 =	simm.s32 $0x7800;
	[sflag:s31] =	ssyncadd.s32 $0xFFFFF800  }
0x48: {  	[tilespmem:s9], [sflag:$0x3] =	stream.linear.gather [hbm4b:s12+s0], $0x800, $0x38;
	[tilespmem:$0x1C040] =	vst v63  }
0x49: {  	_ =	swait.ge [sflag:s31], $0x800  }
0x4a: {  	[sflag:s31] =	ssyncset.done $0x0  }
0x4b: {  	s10 =	simm.s32 $0x3000;
	[sflag:s31] =	ssyncadd.s32 $0xFFFFF800  }
0x4c: {  	[tilespmem:s10], [sflag:$0x3] =	stream.linear.gather [hbm4b:s13+s0], $0x800, $0x38;
	[tilespmem:$0x1C040] =	vst v63  }
0x4d: {  	_ =	swait.ge [sflag:s31], $0x800  }
0x4e: {  	[sflag:s31] =	ssyncset.done $0x0  }
0x4f: {  	s7 =	simm.s32 $0x8000;
	[sflag:s31] =	ssyncadd.s32 $0xFFFFF800  }
0x50: {  	[tilespmem:s7], [sflag:$0x3] =	stream.linear.gather [hbm4b:s14+s0], $0x800, $0x38;
	[tilespmem:$0x1C040] =	vst v63  }
0x51: {  	_ =	swait.ge [sflag:s31], $0x800  }
0x52: {  	[sflag:s31] =	ssyncset.done $0x0  }
0x53: {  	s8 =	simm.s32 $0x3800;
	[sflag:s31] =	ssyncadd.s32 $0xFFFFF800  }
0x54: {  	[tilespmem:s8], [sflag:$0x3] =	stream.linear.gather [hbm4b:s15+s0], $0x800, $0x38;
	[tilespmem:$0x1C040] =	vst v63  }
0x55: {  	_ =	swait.ge [sflag:s31], $0x800  }
0x56: {  	[sflag:s31] =	ssyncset.done $0x0  }
0x57: {  	s9 =	simm.s32 $0x8800;
	[sflag:s31] =	ssyncadd.s32 $0xFFFFF800  }
0x58: {  	[tilespmem:s9], [sflag:$0x3] =	stream.linear.gather [hbm4b:s16+s0], $0x800, $0x38;
	[tilespmem:$0x1C040] =	vst v63  }
0x59: {  	_ =	swait.ge [sflag:s31], $0x800  }
0x5a: {  	[sflag:s31] =	ssyncset.done $0x0  }
0x5b: {  	s10 =	simm.s32 $0x4000;
	[sflag:s31] =	ssyncadd.s32 $0xFFFFF800  }
0x5c: {  	[tilespmem:s10], [sflag:$0x3] =	stream.linear.gather [hbm4b:s17+s0], $0x800, $0x38;
	[tilespmem:$0x1C040] =	vst v63  }
0x5d: {  	_ =	swait.ge [sflag:s31], $0x800  }
0x5e: {  	[sflag:s31] =	ssyncset.done $0x0  }
0x5f: {  	s7 =	simm.s32 $0x9000;
	[sflag:s31] =	ssyncadd.s32 $0xFFFFF800  }
0x60: {  	[tilespmem:s7], [sflag:$0x3] =	stream.linear.gather [hbm4b:s19+s0], $0x800, $0x38;
	[tilespmem:$0x1C040] =	vst v63  }
0x61: {  	_ =	swait.ge [sflag:s31], $0x800  }
0x62: {  	[sflag:s31] =	ssyncset.done $0x0  }
0x63: {  	s8 =	simm.s32 $0x4800;
	[sflag:s31] =	ssyncadd.s32 $0xFFFFF800  }
0x64: {  	[tilespmem:s8], [sflag:$0x3] =	stream.linear.gather [hbm4b:s22+s0], $0x800, $0x38;
	[tilespmem:$0x1C040] =	vst v63  }
0x65: {  	_ =	swait.ge [sflag:s31], $0x800  }
0x66: {  	[sflag:s31] =	ssyncset.done $0x0  }
0x67: {  	s9 =	simm.s32 $0x9800;
	[sflag:s31] =	ssyncadd.s32 $0xFFFFF800  }
0x68: {  	[tilespmem:s9], [sflag:$0x3] =	stream.linear.gather [hbm4b:s23+s0], $0x800, $0x38;
	[tilespmem:$0x1C040] =	vst v63  }
0x69: {  	s10 =	stileid.u32;
	_ =	swait.ge [sflag:s31], $0x800  }
0x6a: {  	s6 =	sshll.u32 s10, $0x6;
	[sflag:s31] =	ssyncset.done $0x0  }
0x6b: {  	s6 =	sor.u32 $0x1C03, s6;
	s7 =	sshrl.u32 s26, $0x3;
	[sflag:s31] =	ssyncadd.s32 $0xFFFFF800  }
0x6c: {  	[spmem:s7], [sflag:s6] =	dma.local [hbm:s25], $0x1400  }
0x6d: {  	_ =	swait.ge [sflag:s31], $0x1400  }
0x6e: {  	[sflag:s31] =	ssyncset.done $0x0  }
0x6f: {  	s8 =	simm.s32 @!p0 $0x3;
	[sflag:s31] =	ssyncadd.s32 $0xFFFFEC00  }
0x70: {  	[spmem:s30], [sflag:s6] =	dma.local @!p0 [hbm:s25], $0x80  }
0x71: {  	_ =	swait.ge @!p0 [sflag:s8], $0x80  }
0x72: {  	[sflag:s8] =	ssyncset.done @!p0 $0x0  }
0x73: {  	[sflag:s8] =	ssyncadd.s32 @!p0 $0xFFFFFF80;
	s8 =	simm.s32 $0x0  }
0x74: {  	v2 =	vld [tilespmem:s8+$0x5000]  }
0x75: {  	v3 =	vld [tilespmem:s8+$0x5010]  }
0x76: {  	v5 =	vld [tilespmem:s8+$0x5020]  }
0x77: {  	v4 =	vld [tilespmem:s8+$0x5030]  }
0x78: {  	v1 =	vld [tilespmem:s8+$0x5040]  }
0x79: {  	v6 =	vsub.s32 v2, v0;
	v2 =	vld [tilespmem:s8+$0x5050]  }
0x7a: {  	s9 =	simm.s32 $0x200;
	v7 =	vsub.s32 v3, v0;
	v3 =	vld [tilespmem:s8+$0x5060];
	v6 =	vmin.u32 v6, $0x1400  }
.LBB2_2:
0x7b: {  	s10 =	sshra.s32 s9, $0x2;
	p1 =	sne.s32 s9, $0x13E00;
	[tilespmem:s8+$0x5000] =	vst v6;
	v6 =	vmin.u32 v7, $0x1400;
	v5 =	vsub.s32 v5, v0;
	v7 =	vld [tilespmem:s8+$0x5070]  }
0x7c: {  	v8 =	vld [tilespmem:s10+$0x5000];
	[tilespmem:s8+$0x5010] =	vst v6;
	v5 =	vmin.u32 v5, $0x1400;
	v4 =	vsub.s32 v4, v0  }
0x7d: {  	v9 =	vld [tilespmem:s10+$0x5010];
	[tilespmem:s8+$0x5020] =	vst v5;
	v4 =	vmin.u32 v4, $0x1400;
	v1 =	vsub.s32 v1, v0  }
.Ltmp0:
0x7e: {  	v5 =	vld [tilespmem:s10+$0x5020];
	[tilespmem:s8+$0x5030] =	vst v4;
	v1 =	vmin.u32 v1, $0x1400;
	v2 =	vsub.s32 v2, v0;
	(pc) =	sbr.rel @p1 .LBB2_2-.Ltmp0, $4  }
0x7f: {  	v4 =	vld [tilespmem:s10+$0x5030];
	[tilespmem:s8+$0x5040] =	vst v1;
	v2 =	vmin.u32 v2, $0x1400;
	v3 =	vsub.s32 v3, v0  }
0x80: {  	v1 =	vld [tilespmem:s10+$0x5040];
	[tilespmem:s8+$0x5050] =	vst v2;
	v3 =	vmin.u32 v3, $0x1400;
	v6 =	vsub.s32 v7, v0  }
0x81: {  	v7 =	vsub.s32 v8, v0;
	v2 =	vld [tilespmem:s10+$0x5050];
	[tilespmem:s8+$0x5060] =	vst v3;
	v8 =	vmin.u32 v6, $0x1400  }
0x82: {  	s9 =	sadd.s32 $0x200, s9;
	v6 =	vmin.u32 v7, $0x1400;
	v7 =	vsub.s32 v9, v0;
	v3 =	vld [tilespmem:s10+$0x5060];
	[tilespmem:s8+$0x5070] =	vst v8;
	s8 =	smov.u32 s10  }
0x83: {  	[tilespmem:s8+$0x5000] =	vst v6;
	v62 =	vmin.u32 v7, $0x1400;
	v5 =	vsub.s32 v5, v0;
	v63 =	vld [tilespmem:s8+$0x5070]  }
0x84: {  	[tilespmem:s8+$0x5010] =	vst v62;
	v5 =	vmin.u32 v5, $0x1400;
	v4 =	vsub.s32 v4, v0  }
0x85: {  	[tilespmem:s8+$0x5020] =	vst v5;
	v4 =	vmin.u32 v4, $0x1400;
	v1 =	vsub.s32 v1, v0  }
0x86: {  	[tilespmem:s8+$0x5030] =	vst v4;
	v1 =	vmin.u32 v1, $0x1400;
	v2 =	vsub.s32 v2, v0  }
0x87: {  	[tilespmem:s8+$0x5040] =	vst v1;
	v1 =	vmin.u32 v2, $0x1400;
	v2 =	vsub.s32 v3, v0  }
0x88: {  	[tilespmem:s8+$0x5050] =	vst v1;
	v1 =	vmin.u32 v2, $0x1400;
	v2 =	vsub.s32 v63, v0  }
0x89: {  	[tilespmem:s8+$0x5060] =	vst v1;
	v1 =	vmin.u32 v2, $0x1400  }
0x8a: {  	[tilespmem:s8+$0x5070] =	vst v1  }
0x8b: {  	s9 =	simm.s32 $0x0;
	[bflag:$0x0] =	sbarrier.arrive $0xFFFF  }
0x8c: {  	[tilespmem:s18], [sflag:$0x1] =	stream.indirect.gather [hbm4b:s24+s1], $0x80, s9, s1, $0xb8;
	[tilespmem:$0x1C040] =	vst v63  }
0x8d: {  	_ = 	snop  }
0x8e: {  	[tilespmem:s2], [sflag:$0x2] =	stream.indirect.gather [hbm4b:s24+s1], $0x80, s1, s1, $0xb8;
	[tilespmem:$0x1C040] =	vst v63  }
0x8f: {  	_ =	swait.ge [sflag:s3], $0x4000  }
0x90: {  	[sflag:s3] =	ssyncset.done $0x0  }
0x91: {  	s10 =	simm.s32 $0x5000;
	[sflag:s3] =	ssyncadd.s32 $0xFFFFC000  }
0x92: {  	[spmem:s21] =	stream.indirect.scatter.add.f32 [tilespmem:s18], [sflag:$0x3], $0x80, s10, s1, $0xb8;
	[tilespmem:$0x1C040] =	vst v63  }
0x93: {  	_ =	swait.ge [sflag:s31], $0x4000  }
0x94: {  	[sflag:s31] =	ssyncset.done $0x0  }
0x95: {  	s9 =	simm.s32 $0x100;
	[sflag:s31] =	ssyncadd.s32 $0xFFFFC000  }
0x96: {  	[tilespmem:s18], [sflag:$0x1] =	stream.indirect.gather [hbm4b:s24+s1], $0x80, s9, s1, $0xb8;
	[tilespmem:$0x1C040] =	vst v63  }
0x97: {  	_ =	swait.ge [sflag:s4], $0x4000  }
0x98: {  	[sflag:s4] =	ssyncset.done $0x0  }
0x99: {  	s10 =	simm.s32 $0x5080;
	[sflag:s4] =	ssyncadd.s32 $0xFFFFC000  }
0x9a: {  	[spmem:s21] =	stream.indirect.scatter.add.f32 [tilespmem:s2], [sflag:$0x3], $0x80, s10, s1, $0xb8;
	[tilespmem:$0x1C040] =	vst v63  }
0x9b: {  	_ =	swait.ge [sflag:s31], $0x4000  }
0x9c: {  	[sflag:s31] =	ssyncset.done $0x0  }
0x9d: {  	s8 =	simm.s32 $0x400;
	s9 =	simm.s32 $0x180;
	[sflag:s31] =	ssyncadd.s32 $0xFFFFC000  }
.LBB2_4:
0x9e: {  	[tilespmem:s2], [sflag:$0x2] =	stream.indirect.gather [hbm4b:s24+s1], $0x80, s9, s1, $0xb8;
	[tilespmem:$0x1C040] =	vst v63  }
0x9f: {  	s9 =	smov.u32 s8  }
0xa0: {  	p1 =	sne.s32 s8, $0x13800;
	s8 =	sadd.s32 $0x400, s8;
	_ =	swait.ge [sflag:s3], $0x4000  }
0xa1: {  	s9 =	sshra.s32 s9, $0x2;
	[sflag:s3] =	ssyncset.done $0x0  }
0xa2: {  	s10 =	sadd.s32 $0x5000, s9;
	[sflag:s3] =	ssyncadd.s32 $0xFFFFC000  }
0xa3: {  	[spmem:s21] =	stream.indirect.scatter.add.f32 [tilespmem:s18], [sflag:$0x3], $0x80, s10, s1, $0xb8;
	[tilespmem:$0x1C040] =	vst v63  }
0xa4: {  	_ =	swait.ge [sflag:s31], $0x4000  }
0xa5: {  	[sflag:s31] =	ssyncset.done $0x0  }
0xa6: {  	s10 =	sadd.s32 $0x100, s9;
	[sflag:s31] =	ssyncadd.s32 $0xFFFFC000  }
0xa7: {  	[tilespmem:s18], [sflag:$0x1] =	stream.indirect.gather [hbm4b:s24+s1], $0x80, s10, s1, $0xb8;
	[tilespmem:$0x1C040] =	vst v63  }
0xa8: {  	_ =	swait.ge [sflag:s4], $0x4000  }
0xa9: {  	[sflag:s4] =	ssyncset.done $0x0  }
.Ltmp1:
0xaa: {  	s10 =	sadd.s32 $0x5080, s9;
	[sflag:s4] =	ssyncadd.s32 $0xFFFFC000;
	(pc) =	sbr.rel @p1 .LBB2_4-.Ltmp1, $4  }
0xab: {  	[spmem:s21] =	stream.indirect.scatter.add.f32 [tilespmem:s2], [sflag:$0x3], $0x80, s10, s1, $0xb8;
	[tilespmem:$0x1C040] =	vst v63  }
0xac: {  	_ =	swait.ge [sflag:s31], $0x4000  }
0xad: {  	[sflag:s31] =	ssyncset.done $0x0  }
0xae: {  	s9 =	sadd.s32 $0x180, s9;
	[sflag:s31] =	ssyncadd.s32 $0xFFFFC000  }
0xaf: {  	[tilespmem:s2], [sflag:$0x2] =	stream.indirect.gather [hbm4b:s24+s1], $0x80, s9, s1, $0xb8;
	[tilespmem:$0x1C040] =	vst v63  }
0xb0: {  	_ =	swait.ge [sflag:s3], $0x4000  }
0xb1: {  	[sflag:s3] =	ssyncset.done $0x0  }
0xb2: {  	s8 =	simm.s32 $0x9F00;
	[sflag:s3] =	ssyncadd.s32 $0xFFFFC000  }
0xb3: {  	[spmem:s21] =	stream.indirect.scatter.add.f32 [tilespmem:s18], [sflag:$0x3], $0x80, s8, s1, $0xb8;
	[tilespmem:$0x1C040] =	vst v63  }
0xb4: {  	_ =	swait.ge [sflag:s31], $0x4000  }
0xb5: {  	[sflag:s31] =	ssyncset.done $0x0  }
0xb6: {  	[sflag:s31] =	ssyncadd.s32 $0xFFFFC000  }
0xb7: {  	_ =	swait.ge [sflag:s4], $0x4000  }
0xb8: {  	[sflag:s4] =	ssyncset.done $0x0  }
0xb9: {  	s10 =	simm.s32 $0x9F80;
	[sflag:s4] =	ssyncadd.s32 $0xFFFFC000  }
0xba: {  	[spmem:s21] =	stream.indirect.scatter.add.f32 [tilespmem:s2], [sflag:$0x3], $0x80, s10, s1, $0xb8;
	[tilespmem:$0x1C040] =	vst v63  }
0xbb: {  	_ =	swait.ge [sflag:s31], $0x4000  }
0xbc: {  	s5 =	sadd.s32 $0x1, s5;
	[sflag:s31] =	ssyncset.done $0x0  }
0xbd: {  	p1 =	sne.s32 s5, s29;
	[sflag:s31] =	ssyncadd.s32 $0xFFFFC000  }
.Ltmp2:
0xbe: {  	[bflag:$0x0] =	sbarrier.arrive $0xFFFF;
	(pc) =	sbr.rel @p1 .LBB2_1-.Ltmp2, $4  }
0xbf: {  	[hbm:s28], [sflag:s6] =	dma.local [spmem:s7], $0x1400  }
0xc0: {  	_ =	swait.ge [sflag:s31], $0x1400  }
0xc1: {  	[sflag:s31] =	ssyncset.done $0x0  }
0xc2: {  	[sflag:s31] =	ssyncadd.s32 $0xFFFFEC00  }
0xc3: {  	_ =	sfence.sel $0x180000  }
0xc4: {  	[bflag:$0x0] =	sbarrier.arrive $0xFFFF  }
0xc5: {  	_ =	strace $0x9000004A  }
0xc6: {  	[bflag:$0x2] =	sbarrier.arrive $0xFFFF  }
0xc7: {  	s0 =	rddreg [dreg:$0x2]  }
0xc8: {  	s0 =	sadd.s32 @!p0 $0x100000, s0  }
0xc9: {  	[sflag:s0] =	ssyncadd.tile.s32 @!p0 $0x1;
	_ =	shalt  }
.Lfunc_end2:
_tile_overlayer_lowered:
.L_overlay_start_2:
0xca: {  	(tag) =	ssettag $0x2  }
0xcb: {  	s0 =	rddreg [dreg:$0x0];
	s2 =	stileid.u32  }
0xcc: {  	s1 =	rddreg [dreg:$0x1];
	p0 =	sne.s32 s2, $0x0  }
0xcd: {  	s3 =	rddreg [dreg:$0x2];
	[bflag:$0x3] =	sbarrier.arrive $0xFFFF;
	s2 =	simm.s32 @!p0 $0x1C03  }
0xce: {  	[timem:s3], [sflag:s2] =	dma.local @!p0 [hbm:s0], s1  }
0xcf: {  	s0 =	simm.s32 @!p0 $0x3  }
0xd0: {  	_ =	swait.ge @!p0 [sflag:s0], s1  }
0xd1: {  	s1 =	ssub.s32 @!p0 $0x0, s1;
	[sflag:s0] =	ssyncset.done @!p0 $0x0  }
0xd2: {  	[sflag:s0] =	ssyncadd.s32 @!p0 s1  }
0xd3: {  	[bflag:$0x3] =	sbarrier.arrive $0xFFFF  }
0xd4: {  	_ =	shalt  }

// kernel: kernel.14.cloned.1.call-start
scs
__scs_entry_jumppad:
0x0: {  	(pc) =	sbr.rel $0x88, $3  }
0x1: {  	(tag) =	ssettag $0x0;
	lr =	simm.s32 $0x1  }
0x2: {  	[smem:$0x3F99] =	sst lr;
	_ =	strace $0xD0000000  }
0x3: {  	_ = 	snop  }
0x4: {  	_ = 	snop  }
0x5: {  	_ = 	snop  }
0x6: {  	_ = 	snop  }
0x7: {  	_ = 	snop  }
__scs_overlays_trampoline_lowered:
0x8: {  	[smem:$0x3FA8] =	sst s0  }
0x9: {  	[smem:$0x3FA9] =	sst s1  }
0xa: {  	[smem:$0x3FAA] =	sst s2  }
0xb: {  	[smem:$0x3FAB] =	sst s3  }
0xc: {  	[smem:$0x3FAC] =	sst s4  }
0xd: {  	[smem:$0x3FAD] =	sst s5  }
0xe: {  	[smem:$0x3FAE] =	sst s6  }
0xf: {  	[smem:$0x3FAF] =	sst s7  }
0x10: {  	[smem:$0x3FB0] =	sst s8  }
0x11: {  	[smem:$0x3FB1] =	sst s9;
	s0 =	simm.s32 @!p0 $0x0  }
0x12: {  	s1 =	sld [smem:$0x3F97];
	s0 =	simm.s32 @p0 $0x1  }
0x13: {  	[smem:$0x3FB2] =	sst s0;
	s0 =	simm.s32 @!p1 $0x0  }
0x14: {  	s2 =	sld [smem:$0x3F96];
	s0 =	simm.s32 @p1 $0x1  }
0x15: {  	[smem:$0x3FB3] =	sst s0;
	s0 =	simm.s32 @!p2 $0x0  }
0x16: {  	s3 =	sld [smem:$0x3FDB];
	s0 =	simm.s32 @p2 $0x1  }
0x17: {  	s4 =	simm.s32 $0x1BF5;
	[smem:$0x3FB5] =	sst s0  }
0x18: {  	s0 =	sld [smem:$0x3F98];
	_ =	swait.ge [sflag:s4], $0x0  }
0x19: {  	s7 =	sld [smem:$0x3F99]  }
0x1a: {  	s8 =	sadd.s32 $0xFFFFE003, lr  }
0x1b: {  	s9 =	sadd.s32 $0xFFFFFEF7, lr;
	s5 =	simm.s32 $0xFFFFFFFF;
	p2 =	slt.u32 s8, $0xFFFFF086  }
0x1c: {  	p1 =	slt.u32 s9, $0xF7A;
	s5 =	simm.s32 @!p2 $0x0  }
0x1d: {  	s5 =	simm.s32 @p1 $0x1;
	p0 =	seq.s32 s7, s2  }
0x1e: {  	s7 =	smul.u32 @!p0 $0xF7A, s2;
	p2 =	seq.s32 @!p0 s5, $0x0  }
0x1f: {  	s9 =	smul.u32 $0xF7A, s1;
	s8 =	simm.s32 @!p0 $0x1BF5;
	p2 =	por !p2, p0  }
0x20: {  	[sflag:s8] =	ssyncset.s32 @!p0 $0xFFFFF086;
	s6 =	sadd.s32 @!p0 s3, s7;
	s7 =	simm.s32 @!p0 $0x108  }
0x21: {  	s3 =	sadd.s32 s3, s9;
	s6 =	sadd.s32 @!p0 $0x88, s6;
	s7 =	simm.s32 @p2 $0x1082  }
0x22: {  	[simem:s7], [sflag:s8] =	dma.local @!p0 [hbm:s6], $0xF7A  }
0x23: {  	s9 =	sor.u32 $0xD0000000, s2;
	s6 =	simm.s32 $0x108;
	_ =	swait.ge @!p0 [sflag:s8], $0x0  }
0x24: {  	s3 =	sadd.s32 $0x88, s3;
	s6 =	simm.s32 @!p1 $0x1082;
	[sflag:s4] =	ssyncset.s32 $0xFFFFF086  }
0x25: {  	[simem:s6], [sflag:s4] =	dma.local [hbm:s3], $0xF7A  }
0x26: {  	[smem:$0x3F99] =	sst s1;
	(tag) =	ssettag s2;
	_ =	strace s9  }
0x27: {  	s1 =	sld [smem:$0x3FA9]  }
0x28: {  	s2 =	sld [smem:$0x3FAA]  }
0x29: {  	s4 =	sld [smem:$0x3FAC]  }
0x2a: {  	p0 =	seq.s32 s5, $0x0;
	s5 =	sld [smem:$0x3FAD]  }
0x2b: {  	s6 =	sld [smem:$0x3FAE]  }
0x2c: {  	s7 =	sld [smem:$0x3FAF]  }
0x2d: {  	s3 =	simm.s32 $0x108;
	s8 =	sld [smem:$0x3FB0]  }
0x2e: {  	s3 =	simm.s32 @!p0 $0x1082;
	s9 =	sld [smem:$0x3FB1]  }
0x2f: {  	lr =	sadd.s32 s0, s3;
	s0 =	sld [smem:$0x3FA8]  }
0x30: {  	s3 =	sld [smem:$0x3FAB]  }
0x31: {  	[smem:$0x3FB4] =	sst s10  }
0x32: {  	s10 =	sld [smem:$0x3FB2];
	_ =	sdelay $0x3  }
0x33: {  	p0 =	seq.s32 s10, $0x1;
	s10 =	sld [smem:$0x3FB4];
	_ =	sdelay $0x3  }
0x34: {  	[smem:$0x3FB4] =	sst s10  }
0x35: {  	s10 =	sld [smem:$0x3FB3];
	_ =	sdelay $0x3  }
0x36: {  	p1 =	seq.s32 s10, $0x1;
	s10 =	sld [smem:$0x3FB4];
	_ =	sdelay $0x3  }
0x37: {  	[smem:$0x3FB4] =	sst s10  }
0x38: {  	s10 =	sld [smem:$0x3FB5]  }
0x39: {  	_ = 	snop;
	(pc) =	sbr.ind lr, $3  }
0x3a: {  	_ = 	snop  }
0x3b: {  	_ = 	snop  }
0x3c: {  	p2 =	seq.s32 s10, $0x1;
	s10 =	sld [smem:$0x3FB4]  }
0x3d: {  	_ =	shalt  }
0x3e: {  	_ =	shalt  }
0x3f: {  	_ =	shalt  }
0x40: {  	_ =	shalt  }
0x41: {  	_ =	shalt  }
0x42: {  	_ =	shalt  }
0x43: {  	_ =	shalt  }
0x44: {  	_ =	shalt  }
0x45: {  	_ =	shalt  }
0x46: {  	_ =	shalt  }
0x47: {  	_ =	shalt  }
0x48: {  	_ =	shalt  }
0x49: {  	_ =	shalt  }
0x4a: {  	_ =	shalt  }
0x4b: {  	_ =	shalt  }
0x4c: {  	_ =	shalt  }
0x4d: {  	_ =	shalt  }
0x4e: {  	_ =	shalt  }
0x4f: {  	_ =	shalt  }
0x50: {  	_ =	shalt  }
0x51: {  	_ =	shalt  }
0x52: {  	_ =	shalt  }
0x53: {  	_ =	shalt  }
0x54: {  	_ =	shalt  }
0x55: {  	_ =	shalt  }
0x56: {  	_ =	shalt  }
0x57: {  	_ =	shalt  }
0x58: {  	_ =	shalt  }
0x59: {  	_ =	shalt  }
0x5a: {  	_ =	shalt  }
0x5b: {  	_ =	shalt  }
0x5c: {  	_ =	shalt  }
0x5d: {  	_ =	shalt  }
0x5e: {  	_ =	shalt  }
0x5f: {  	_ =	shalt  }
0x60: {  	_ =	shalt  }
0x61: {  	_ =	shalt  }
0x62: {  	_ =	shalt  }
0x63: {  	_ =	shalt  }
0x64: {  	_ =	shalt  }
0x65: {  	_ =	shalt  }
0x66: {  	_ =	shalt  }
0x67: {  	_ =	shalt  }
0x68: {  	_ =	shalt  }
0x69: {  	_ =	shalt  }
0x6a: {  	_ =	shalt  }
0x6b: {  	_ =	shalt  }
0x6c: {  	_ =	shalt  }
0x6d: {  	_ =	shalt  }
0x6e: {  	_ =	shalt  }
0x6f: {  	_ =	shalt  }
0x70: {  	_ =	shalt  }
0x71: {  	_ =	shalt  }
0x72: {  	_ =	shalt  }
0x73: {  	_ =	shalt  }
0x74: {  	_ =	shalt  }
0x75: {  	_ =	shalt  }
0x76: {  	_ =	shalt  }
0x77: {  	_ =	shalt  }
0x78: {  	_ =	shalt  }
0x79: {  	_ =	shalt  }
0x7a: {  	_ =	shalt  }
0x7b: {  	_ =	shalt  }
0x7c: {  	_ =	shalt  }
0x7d: {  	_ =	shalt  }
0x7e: {  	_ =	shalt  }
0x7f: {  	_ =	shalt  }
0x80: {  	_ =	shalt  }
0x81: {  	_ =	shalt  }
0x82: {  	_ =	shalt  }
0x83: {  	_ =	shalt  }
0x84: {  	_ =	shalt  }
0x85: {  	_ =	shalt  }
0x86: {  	_ =	shalt  }
0x87: {  	_ =	shalt  }
.Lfunc_end0:
.L_simem_size_0:
called_computation.2_lowered:
.L_overlay_start_0:
0x88: {  	s2 =	sld [smem:$0x3FD9]  }
0x89: {  	s3 =	sld [smem:$0x3FFE];
	_ =	sdelay $0x1  }
0x8a: {  	s1 =	srdreg.scid  }
0x8b: {  	s0 =	sand.u32 $0x1, s1  }
0x8c: {  	s16 =	sshll.u32 s0, $0xA;
	s2 =	sadd.s32 s3, s2  }
0x8d: {  	s2 =	sadd.s32 s2, s16  }
0x8e: {  	[smem:$0x3FC0] =	sst s2  }
0x8f: {  	_ = 	snop  }
0x90: {  	(tm) =	ssettm $0x1  }
0x91: {  	s17 =	sld [smem:$0x3FFB];
	_ =	sdelay $0x3  }
0x92: {  	_ =	strace s17  }
0x93: {  	s2 =	sld [smem:$0x3FFC];
	_ =	sdelay $0x3  }
0x94: {  	_ =	strace s2  }
0x95: {  	s2 =	sld [smem:$0x3FFD];
	_ =	sdelay $0x3  }
0x96: {  	_ =	strace s2  }
0x97: {  	_ =	strace $0x8FFFFFFF  }
0x98: {  	s18 =	sld [smem:$0x3FDB];
	_ =	sdelay $0x1  }
0x99: {  	s19 =	simm.s32 $_scs_section_size  }
0x9a: {  	s4 =	simm.s32 $_size__tile_overlayer_lowered;
	s5 =	simm.s32 $_tile_overlayer_lowered  }
0x9b: {  	s22 =	simm.s32 $0x1BFF;
	s21 =	sshll.u32 s5, $0x1;
	s2 =	sadd.s32 s19, s18  }
0x9c: {  	s6 =	simm.s32 $0x0;
	s20 =	sshll.u32 s4, $0x1;
	s4 =	sadd.s32 s21, s2  }
0x9d: {  	[timem:s6], [sflag:s22] =	dma.local [hbm:s4], s20  }
0x9e: {  	_ =	swait.ge [sflag:s22], s20  }
0x9f: {  	s3 =	ssub.s32 $0x0, s20;
	[sflag:s22] =	ssyncset.done $0x0  }
0xa0: {  	[sflag:s22] =	ssyncadd.s32 s3;
	_ =	sdelay $0x1  }
0xa1: {  	s23 =	simm.s32 $0x1B8B  }
0xa2: {  	_ =	swait.ge [sflag:s23], $0x1  }
0xa3: {  	[sflag:s23] =	ssyncset.done $0x0  }
0xa4: {  	s25 =	simm.s32 $0x1B8E;
	s24 =	sld [smem:$0x3FFE];
	[sflag:s23] =	ssyncadd.s32 $0xFFFFFFFF  }
0xa5: {  	s26 =	simm.s32 $execute0_lowered;
	[smem:$0x3FD2] =	sst s25  }
0xa6: {  	s4 =	sshll.u32 s26, $0x1;
	_ =	strace $0x8000004C;
	[dreg:$0x1] =	wrdreg $0xFFFFFFFF  }
0xa7: {  	s28 =	simm.s32 $_size_execute0_lowered;
	s2 =	sadd.s32 s2, s4;
	[dreg:$0x0] =	wrdreg $0x0  }
0xa8: {  	s4 =	sshll.u32 s28, $0x1;
	[dreg:$0x2] =	wrdreg s2  }
0xa9: {  	[dreg:$0x3] =	wrdreg s4  }
0xaa: {  	[dreg:$0x4] =	wrdreg $0xC0  }
0xab: {  	_ =	task [dreg:s6], $0x5FFFF  }
0xac: {  	[dreg:$0x1] =	wrdreg $0xFFFFFFFF  }
0xad: {  	[dreg:$0x0] =	wrdreg $0x60  }
0xae: {  	[dreg:$0x2] =	wrdreg s24  }
0xaf: {  	[dreg:$0x3] =	wrdreg $0x120000  }
0xb0: {  	[dreg:$0x4] =	wrdreg $0x9  }
0xb1: {  	_ =	task.clear_ibuf [dreg:s6], $0x5FFFF;
	_ =	strace $0x9000004C  }
0xb2: {  	s29 =	simm.s32 $0x9;
	_ =	strace $0x8000004E  }
0xb3: {  	_ =	swait.ge [sflag:s29], $0x1  }
0xb4: {  	[sflag:s29] =	ssyncadd.s32 $0xFFFFFFFF  }
0xb5: {  	_ =	strace $0x9000004E  }
0xb6: {  	_ =	sfence  }
0xb7: {  	s30 =	sld [smem:$0x0];
	_ =	sdelay $0x2  }
0xb8: {  	s31 =	sshll.u32 s1, $0xD;
	s1 =	sshrl.u32 s1, $0x2  }
0xb9: {  	s3 =	sand.u32 $0x4000, s31;
	s1 =	sadd.s32 s1, s30  }
0xba: {  	s0 =	sor.u32 s3, s0;
	s1 =	sshll.u32 s1, $0x11  }
0xbb: {  	s0 =	sor.u32 s1, s0  }
0xbc: {  	s0 =	sadd.s32 $0x8F2B, s0  }
0xbd: {  	[sflag:s0] =	ssyncadd.remote.s32 $0x1  }
0xbe: {  	_ =	sfence.sel $0xFFFF  }
0xbf: {  	[dreg:$0x0] =	wrdreg $0xFFFFFFFF;
	(pc) =	sbr.abs _section_cstart, $3  }
0xc0: {  	[dreg:$0x1] =	wrdreg $0xFFFFFFFF  }
0xc1: {  	_ =	task.clear_ibuf [dreg:s6], $0x2FFFF;
	_ =	strace $0x9FFFFFFF  }
0xc2: {  	(tm) =	ssettm $0x7FFFFFFF  }
0xc3: {  	_ =	shalt  }
tec
execute0_lowered:
.L_overlay_start_1:
0x0: {  	(tag) =	ssettag $0x1  }
0x1: {  	s0 =	srdreg.scid  }
0x2: {  	s1 =	rddreg [dreg:$0x0];
	s10 =	stileid.u32;
	s31 =	simm.s32 $0x3  }
0x3: {  	s2 =	sand.u32 $0x1, s0;
	s0 =	simm.s32 $0x0;
	s4 =	smul.u32 $0x5000, s10  }
0x4: {  	s5 =	sadd.s32 $0x17800, s1;
	s6 =	smul.u32 $0xA000, s10;
	s8 =	sadd.s32 $0x2400, s1  }
0x5: {  	p0 =	sne.s32 s10, $0x0;
	s3 =	smul.u32 $0xA0000, s2;
	s7 =	ssub.s32 $0x2, s2  }
0x6: {  	[smem:$0x7FF] =	sst s0;
	s9 =	sshrl.u32 s7, $0x1;
	s4 =	sshrl.u32 s4, $0x3  }
0x7: {  	s3 =	sadd.s32 s6, s3;
	s6 =	ssub.s32 s7, s9;
	s14 =	sor.u32 $0x100, s4  }
0x8: {  	s15 =	sadd.s32 s5, s4;
	s17 =	sadd.s32 $0x200, s4;
	s19 =	sadd.s32 $0x300, s4  }
0x9: {  	s21 =	sadd.s32 $0x400, s4;
	s23 =	sadd.s32 $0x500, s4;
	s24 =	sadd.s32 $0x600, s4  }
0xa: {  	s25 =	sadd.s32 $0x700, s4;
	s26 =	sadd.s32 $0x800, s4;
	[dreg:$0x3] =	wrdreg s15  }
0xb: {  	s16 =	sadd.s32 s5, s14;
	s7 =	sadd.s32 s8, s14;
	s18 =	sadd.s32 s5, s17  }
0xc: {  	s9 =	sadd.s32 s8, s17;
	s20 =	sadd.s32 s5, s19;
	s22 =	sadd.s32 s5, s21  }
0xd: {  	s11 =	sadd.s32 s5, s23;
	s12 =	sadd.s32 s8, s23;
	[dreg:$0x4] =	wrdreg s16  }
0xe: {  	s13 =	sadd.s32 s5, s24;
	s14 =	sadd.s32 s8, s24;
	[dreg:$0x5] =	wrdreg s7  }
0xf: {  	s15 =	sadd.s32 s5, s25;
	s17 =	sadd.s32 s5, s26;
	[dreg:$0x6] =	wrdreg s18  }
0x10: {  	s3 =	sshrl.u32 s3, $0x3;
	s24 =	sadd.s32 $0x21800, s1;
	[dreg:$0x7] =	wrdreg s9  }
0x11: {  	s29 =	smax.u32 s6, $0x1;
	[dreg:$0x8] =	wrdreg s20;
	s7 =	sadd.s32 s8, s19  }
0x12: {  	[dreg:$0xa] =	wrdreg s22;
	s9 =	sadd.s32 s8, s21;
	s16 =	sadd.s32 s8, s25  }
0x13: {  	s19 =	sadd.s32 s8, s26;
	s20 =	sadd.s32 s8, s4;
	s21 =	rddreg [dreg:$0x1]  }
0x14: {  	s4 =	sadd.s32 $0x900, s4;
	s3 =	sadd.s32 s3, s1;
	[dreg:$0x9] =	wrdreg s7  }
0x15: {  	s25 =	sadd.s32 $0xC400, s1;
	s18 =	simm.s32 $0xA000;
	[dreg:$0xb] =	wrdreg s9  }
0x16: {  	s22 =	sadd.s32 s5, s4;
	s7 =	smul.u32 $0x28000, s10;
	s23 =	sadd.s32 s8, s4  }
0x17: {  	s9 =	smul.u32 $0x1400, s2;
	s28 =	sadd.s32 $0x48A00, s3;
	s1 =	sadd.s32 $0xA0000, s21  }
0x18: {  	s2 =	simm.s32 $0xE000;
	s3 =	simm.s32 $0x1;
	s4 =	simm.s32 $0x2  }
0x19: {  	s5 =	simm.s32 $0x0;
	_ =	strace $0x8000004D;
	s8 =	sshrl.u32 s7, $0x2  }
0x1a: {  	s30 =	sshrl.u32 @!p0 s1, $0x3;
	s1 =	simm.s32 $0x80;
	v0 =	vmov s9;
	s26 =	sadd.s32 s8, s21  }
.LBB2_1:
0x1b: {  	s6 =	rddreg [dreg:$0x3]  }
0x1c: {  	[tilespmem:s0], [sflag:$0x3] =	stream.linear.gather [hbm4b:s6+s0], $0x800, $0x38;
	[tilespmem:$0x1C040] =	vst v63  }
0x1d: {  	_ =	swait.ge [sflag:s31], $0x800  }
0x1e: {  	[sflag:s31] =	ssyncset.done $0x0  }
0x1f: {  	s7 =	simm.s32 $0x5000;
	[sflag:s31] =	ssyncadd.s32 $0xFFFFF800  }
0x20: {  	[tilespmem:s7], [sflag:$0x3] =	stream.linear.gather [hbm4b:s20+s0], $0x800, $0x38;
	[tilespmem:$0x1C040] =	vst v63  }
0x21: {  	_ =	swait.ge [sflag:s31], $0x800  }
0x22: {  	[sflag:s31] =	ssyncset.done $0x0  }
0x23: {  	s7 =	simm.s32 $0x800;
	s8 =	rddreg [dreg:$0x4];
	[sflag:s31] =	ssyncadd.s32 $0xFFFFF800  }
0x24: {  	[tilespmem:s7], [sflag:$0x3] =	stream.linear.gather [hbm4b:s8+s0], $0x800, $0x38;
	[tilespmem:$0x1C040] =	vst v63  }
0x25: {  	_ =	swait.ge [sflag:s31], $0x800  }
0x26: {  	[sflag:s31] =	ssyncset.done $0x0  }
0x27: {  	s10 =	simm.s32 $0x5800;
	s9 =	rddreg [dreg:$0x5];
	[sflag:s31] =	ssyncadd.s32 $0xFFFFF800  }
0x28: {  	[tilespmem:s10], [sflag:$0x3] =	stream.linear.gather [hbm4b:s9+s0], $0x800, $0x38;
	[tilespmem:$0x1C040] =	vst v63  }
0x29: {  	_ =	swait.ge [sflag:s31], $0x800  }
0x2a: {  	[sflag:s31] =	ssyncset.done $0x0  }
0x2b: {  	s8 =	simm.s32 $0x1000;
	s7 =	rddreg [dreg:$0x6];
	[sflag:s31] =	ssyncadd.s32 $0xFFFFF800  }
0x2c: {  	[tilespmem:s8], [sflag:$0x3] =	stream.linear.gather [hbm4b:s7+s0], $0x800, $0x38;
	[tilespmem:$0x1C040] =	vst v63  }
0x2d: {  	_ =	swait.ge [sflag:s31], $0x800  }
0x2e: {  	[sflag:s31] =	ssyncset.done $0x0  }
0x2f: {  	s10 =	simm.s32 $0x6000;
	s9 =	rddreg [dreg:$0x7];
	[sflag:s31] =	ssyncadd.s32 $0xFFFFF800  }
0x30: {  	[tilespmem:s10], [sflag:$0x3] =	stream.linear.gather [hbm4b:s9+s0], $0x800, $0x38;
	[tilespmem:$0x1C040] =	vst v63  }
0x31: {  	_ =	swait.ge [sflag:s31], $0x800  }
0x32: {  	[sflag:s31] =	ssyncset.done $0x0  }
0x33: {  	s8 =	simm.s32 $0x1800;
	s7 =	rddreg [dreg:$0x8];
	[sflag:s31] =	ssyncadd.s32 $0xFFFFF800  }
0x34: {  	[tilespmem:s8], [sflag:$0x3] =	stream.linear.gather [hbm4b:s7+s0], $0x800, $0x38;
	[tilespmem:$0x1C040] =	vst v63  }
0x35: {  	_ =	swait.ge [sflag:s31], $0x800  }
0x36: {  	[sflag:s31] =	ssyncset.done $0x0  }
0x37: {  	s10 =	simm.s32 $0x6800;
	s9 =	rddreg [dreg:$0x9];
	[sflag:s31] =	ssyncadd.s32 $0xFFFFF800  }
0x38: {  	[tilespmem:s10], [sflag:$0x3] =	stream.linear.gather [hbm4b:s9+s0], $0x800, $0x38;
	[tilespmem:$0x1C040] =	vst v63  }
0x39: {  	_ =	swait.ge [sflag:s31], $0x800  }
0x3a: {  	[sflag:s31] =	ssyncset.done $0x0  }
0x3b: {  	s8 =	simm.s32 $0x2000;
	s7 =	rddreg [dreg:$0xa];
	[sflag:s31] =	ssyncadd.s32 $0xFFFFF800  }
0x3c: {  	[tilespmem:s8], [sflag:$0x3] =	stream.linear.gather [hbm4b:s7+s0], $0x800, $0x38;
	[tilespmem:$0x1C040] =	vst v63  }
0x3d: {  	_ =	swait.ge [sflag:s31], $0x800  }
0x3e: {  	[sflag:s31] =	ssyncset.done $0x0  }
0x3f: {  	s10 =	simm.s32 $0x7000;
	s9 =	rddreg [dreg:$0xb];
	[sflag:s31] =	ssyncadd.s32 $0xFFFFF800  }
0x40: {  	[tilespmem:s10], [sflag:$0x3] =	stream.linear.gather [hbm4b:s9+s0], $0x800, $0x38;
	[tilespmem:$0x1C040] =	vst v63  }
0x41: {  	_ =	swait.ge [sflag:s31], $0x800  }
0x42: {  	[sflag:s31] =	ssyncset.done $0x0  }
0x43: {  	s8 =	simm.s32 $0x2800;
	[sflag:s31] =	ssyncadd.s32 $0xFFFFF800  }
0x44: {  	[tilespmem:s8], [sflag:$0x3] =	stream.linear.gather [hbm4b:s11+s0], $0x800, $0x38;
	[tilespmem:$0x1C040] =	vst v63  }
0x45: {  	_ =	swait.ge [sflag:s31], $0x800  }
0x46: {  	[sflag:s31] =	ssyncset.done $0x0  }
0x47: {  	s9 =	simm.s32 $0x7800;
	[sflag:s31] =	ssyncadd.s32 $0xFFFFF800  }
0x48: {  	[tilespmem:s9], [sflag:$0x3] =	stream.linear.gather [hbm4b:s12+s0], $0x800, $0x38;
	[tilespmem:$0x1C040] =	vst v63  }
0x49: {  	_ =	swait.ge [sflag:s31], $0x800  }
0x4a: {  	[sflag:s31] =	ssyncset.done $0x0  }
0x4b: {  	s10 =	simm.s32 $0x3000;
	[sflag:s31] =	ssyncadd.s32 $0xFFFFF800  }
0x4c: {  	[tilespmem:s10], [sflag:$0x3] =	stream.linear.gather [hbm4b:s13+s0], $0x800, $0x38;
	[tilespmem:$0x1C040] =	vst v63  }
0x4d: {  	_ =	swait.ge [sflag:s31], $0x800  }
0x4e: {  	[sflag:s31] =	ssyncset.done $0x0  }
0x4f: {  	s7 =	simm.s32 $0x8000;
	[sflag:s31] =	ssyncadd.s32 $0xFFFFF800  }
0x50: {  	[tilespmem:s7], [sflag:$0x3] =	stream.linear.gather [hbm4b:s14+s0], $0x800, $0x38;
	[tilespmem:$0x1C040] =	vst v63  }
0x51: {  	_ =	swait.ge [sflag:s31], $0x800  }
0x52: {  	[sflag:s31] =	ssyncset.done $0x0  }
0x53: {  	s8 =	simm.s32 $0x3800;
	[sflag:s31] =	ssyncadd.s32 $0xFFFFF800  }
0x54: {  	[tilespmem:s8], [sflag:$0x3] =	stream.linear.gather [hbm4b:s15+s0], $0x800, $0x38;
	[tilespmem:$0x1C040] =	vst v63  }
0x55: {  	_ =	swait.ge [sflag:s31], $0x800  }
0x56: {  	[sflag:s31] =	ssyncset.done $0x0  }
0x57: {  	s9 =	simm.s32 $0x8800;
	[sflag:s31] =	ssyncadd.s32 $0xFFFFF800  }
0x58: {  	[tilespmem:s9], [sflag:$0x3] =	stream.linear.gather [hbm4b:s16+s0], $0x800, $0x38;
	[tilespmem:$0x1C040] =	vst v63  }
0x59: {  	_ =	swait.ge [sflag:s31], $0x800  }
0x5a: {  	[sflag:s31] =	ssyncset.done $0x0  }
0x5b: {  	s10 =	simm.s32 $0x4000;
	[sflag:s31] =	ssyncadd.s32 $0xFFFFF800  }
0x5c: {  	[tilespmem:s10], [sflag:$0x3] =	stream.linear.gather [hbm4b:s17+s0], $0x800, $0x38;
	[tilespmem:$0x1C040] =	vst v63  }
0x5d: {  	_ =	swait.ge [sflag:s31], $0x800  }
0x5e: {  	[sflag:s31] =	ssyncset.done $0x0  }
0x5f: {  	s7 =	simm.s32 $0x9000;
	[sflag:s31] =	ssyncadd.s32 $0xFFFFF800  }
0x60: {  	[tilespmem:s7], [sflag:$0x3] =	stream.linear.gather [hbm4b:s19+s0], $0x800, $0x38;
	[tilespmem:$0x1C040] =	vst v63  }
0x61: {  	_ =	swait.ge [sflag:s31], $0x800  }
0x62: {  	[sflag:s31] =	ssyncset.done $0x0  }
0x63: {  	s8 =	simm.s32 $0x4800;
	[sflag:s31] =	ssyncadd.s32 $0xFFFFF800  }
0x64: {  	[tilespmem:s8], [sflag:$0x3] =	stream.linear.gather [hbm4b:s22+s0], $0x800, $0x38;
	[tilespmem:$0x1C040] =	vst v63  }
0x65: {  	_ =	swait.ge [sflag:s31], $0x800  }
0x66: {  	[sflag:s31] =	ssyncset.done $0x0  }
0x67: {  	s9 =	simm.s32 $0x9800;
	[sflag:s31] =	ssyncadd.s32 $0xFFFFF800  }
0x68: {  	[tilespmem:s9], [sflag:$0x3] =	stream.linear.gather [hbm4b:s23+s0], $0x800, $0x38;
	[tilespmem:$0x1C040] =	vst v63  }
0x69: {  	s10 =	stileid.u32;
	_ =	swait.ge [sflag:s31], $0x800  }
0x6a: {  	s6 =	sshll.u32 s10, $0x6;
	[sflag:s31] =	ssyncset.done $0x0  }
0x6b: {  	s6 =	sor.u32 $0x1C03, s6;
	s7 =	sshrl.u32 s26, $0x3;
	[sflag:s31] =	ssyncadd.s32 $0xFFFFF800  }
0x6c: {  	[spmem:s7], [sflag:s6] =	dma.local [hbm:s25], $0x1400  }
0x6d: {  	_ =	swait.ge [sflag:s31], $0x1400  }
0x6e: {  	[sflag:s31] =	ssyncset.done $0x0  }
0x6f: {  	s8 =	simm.s32 @!p0 $0x3;
	[sflag:s31] =	ssyncadd.s32 $0xFFFFEC00  }
0x70: {  	[spmem:s30], [sflag:s6] =	dma.local @!p0 [hbm:s25], $0x80  }
0x71: {  	_ =	swait.ge @!p0 [sflag:s8], $0x80  }
0x72: {  	[sflag:s8] =	ssyncset.done @!p0 $0x0  }
0x73: {  	[sflag:s8] =	ssyncadd.s32 @!p0 $0xFFFFFF80;
	s8 =	simm.s32 $0x0  }
0x74: {  	v2 =	vld [tilespmem:s8+$0x5000]  }
0x75: {  	v3 =	vld [tilespmem:s8+$0x5010]  }
0x76: {  	v5 =	vld [tilespmem:s8+$0x5020]  }
0x77: {  	v4 =	vld [tilespmem:s8+$0x5030]  }
0x78: {  	v1 =	vld [tilespmem:s8+$0x5040]  }
0x79: {  	v6 =	vsub.s32 v2, v0;
	v2 =	vld [tilespmem:s8+$0x5050]  }
0x7a: {  	s9 =	simm.s32 $0x200;
	v7 =	vsub.s32 v3, v0;
	v3 =	vld [tilespmem:s8+$0x5060];
	v6 =	vmin.u32 v6, $0x1400  }
.LBB2_2:
0x7b: {  	s10 =	sshra.s32 s9, $0x2;
	p1 =	sne.s32 s9, $0x13E00;
	[tilespmem:s8+$0x5000] =	vst v6;
	v6 =	vmin.u32 v7, $0x1400;
	v5 =	vsub.s32 v5, v0;
	v7 =	vld [tilespmem:s8+$0x5070]  }
0x7c: {  	v8 =	vld [tilespmem:s10+$0x5000];
	[tilespmem:s8+$0x5010] =	vst v6;
	v5 =	vmin.u32 v5, $0x1400;
	v4 =	vsub.s32 v4, v0  }
0x7d: {  	v9 =	vld [tilespmem:s10+$0x5010];
	[tilespmem:s8+$0x5020] =	vst v5;
	v4 =	vmin.u32 v4, $0x1400;
	v1 =	vsub.s32 v1, v0  }
.Ltmp0:
0x7e: {  	v5 =	vld [tilespmem:s10+$0x5020];
	[tilespmem:s8+$0x5030] =	vst v4;
	v1 =	vmin.u32 v1, $0x1400;
	v2 =	vsub.s32 v2, v0;
	(pc) =	sbr.rel @p1 .LBB2_2-.Ltmp0, $4  }
0x7f: {  	v4 =	vld [tilespmem:s10+$0x5030];
	[tilespmem:s8+$0x5040] =	vst v1;
	v2 =	vmin.u32 v2, $0x1400;
	v3 =	vsub.s32 v3, v0  }
0x80: {  	v1 =	vld [tilespmem:s10+$0x5040];
	[tilespmem:s8+$0x5050] =	vst v2;
	v3 =	vmin.u32 v3, $0x1400;
	v6 =	vsub.s32 v7, v0  }
0x81: {  	v7 =	vsub.s32 v8, v0;
	v2 =	vld [tilespmem:s10+$0x5050];
	[tilespmem:s8+$0x5060] =	vst v3;
	v8 =	vmin.u32 v6, $0x1400  }
0x82: {  	s9 =	sadd.s32 $0x200, s9;
	v6 =	vmin.u32 v7, $0x1400;
	v7 =	vsub.s32 v9, v0;
	v3 =	vld [tilespmem:s10+$0x5060];
	[tilespmem:s8+$0x5070] =	vst v8;
	s8 =	smov.u32 s10  }
0x83: {  	[tilespmem:s8+$0x5000] =	vst v6;
	v62 =	vmin.u32 v7, $0x1400;
	v5 =	vsub.s32 v5, v0;
	v63 =	vld [tilespmem:s8+$0x5070]  }
0x84: {  	[tilespmem:s8+$0x5010] =	vst v62;
	v5 =	vmin.u32 v5, $0x1400;
	v4 =	vsub.s32 v4, v0  }
0x85: {  	[tilespmem:s8+$0x5020] =	vst v5;
	v4 =	vmin.u32 v4, $0x1400;
	v1 =	vsub.s32 v1, v0  }
0x86: {  	[tilespmem:s8+$0x5030] =	vst v4;
	v1 =	vmin.u32 v1, $0x1400;
	v2 =	vsub.s32 v2, v0  }
0x87: {  	[tilespmem:s8+$0x5040] =	vst v1;
	v1 =	vmin.u32 v2, $0x1400;
	v2 =	vsub.s32 v3, v0  }
0x88: {  	[tilespmem:s8+$0x5050] =	vst v1;
	v1 =	vmin.u32 v2, $0x1400;
	v2 =	vsub.s32 v63, v0  }
0x89: {  	[tilespmem:s8+$0x5060] =	vst v1;
	v1 =	vmin.u32 v2, $0x1400  }
0x8a: {  	[tilespmem:s8+$0x5070] =	vst v1  }
0x8b: {  	s9 =	simm.s32 $0x0;
	[bflag:$0x0] =	sbarrier.arrive $0xFFFF  }
0x8c: {  	[tilespmem:s18], [sflag:$0x1] =	stream.indirect.gather [hbm4b:s24+s1], $0x80, s9, s1, $0xb8;
	[tilespmem:$0x1C040] =	vst v63  }
0x8d: {  	_ = 	snop  }
0x8e: {  	[tilespmem:s2], [sflag:$0x2] =	stream.indirect.gather [hbm4b:s24+s1], $0x80, s1, s1, $0xb8;
	[tilespmem:$0x1C040] =	vst v63  }
0x8f: {  	_ =	swait.ge [sflag:s3], $0x4000  }
0x90: {  	[sflag:s3] =	ssyncset.done $0x0  }
0x91: {  	s10 =	simm.s32 $0x5000;
	[sflag:s3] =	ssyncadd.s32 $0xFFFFC000  }
0x92: {  	[spmem:s21] =	stream.indirect.scatter.add.f32 [tilespmem:s18], [sflag:$0x3], $0x80, s10, s1, $0xb8;
	[tilespmem:$0x1C040] =	vst v63  }
0x93: {  	_ =	swait.ge [sflag:s31], $0x4000  }
0x94: {  	[sflag:s31] =	ssyncset.done $0x0  }
0x95: {  	s9 =	simm.s32 $0x100;
	[sflag:s31] =	ssyncadd.s32 $0xFFFFC000  }
0x96: {  	[tilespmem:s18], [sflag:$0x1] =	stream.indirect.gather [hbm4b:s24+s1], $0x80, s9, s1, $0xb8;
	[tilespmem:$0x1C040] =	vst v63  }
0x97: {  	_ =	swait.ge [sflag:s4], $0x4000  }
0x98: {  	[sflag:s4] =	ssyncset.done $0x0  }
0x99: {  	s10 =	simm.s32 $0x5080;
	[sflag:s4] =	ssyncadd.s32 $0xFFFFC000  }
0x9a: {  	[spmem:s21] =	stream.indirect.scatter.add.f32 [tilespmem:s2], [sflag:$0x3], $0x80, s10, s1, $0xb8;
	[tilespmem:$0x1C040] =	vst v63  }
0x9b: {  	_ =	swait.ge [sflag:s31], $0x4000  }
0x9c: {  	[sflag:s31] =	ssyncset.done $0x0  }
0x9d: {  	s8 =	simm.s32 $0x400;
	s9 =	simm.s32 $0x180;
	[sflag:s31] =	ssyncadd.s32 $0xFFFFC000  }
.LBB2_4:
0x9e: {  	[tilespmem:s2], [sflag:$0x2] =	stream.indirect.gather [hbm4b:s24+s1], $0x80, s9, s1, $0xb8;
	[tilespmem:$0x1C040] =	vst v63  }
0x9f: {  	s9 =	smov.u32 s8  }
0xa0: {  	p1 =	sne.s32 s8, $0x13800;
	s8 =	sadd.s32 $0x400, s8;
	_ =	swait.ge [sflag:s3], $0x4000  }
0xa1: {  	s9 =	sshra.s32 s9, $0x2;
	[sflag:s3] =	ssyncset.done $0x0  }
0xa2: {  	s10 =	sadd.s32 $0x5000, s9;
	[sflag:s3] =	ssyncadd.s32 $0xFFFFC000  }
0xa3: {  	[spmem:s21] =	stream.indirect.scatter.add.f32 [tilespmem:s18], [sflag:$0x3], $0x80, s10, s1, $0xb8;
	[tilespmem:$0x1C040] =	vst v63  }
0xa4: {  	_ =	swait.ge [sflag:s31], $0x4000  }
0xa5: {  	[sflag:s31] =	ssyncset.done $0x0  }
0xa6: {  	s10 =	sadd.s32 $0x100, s9;
	[sflag:s31] =	ssyncadd.s32 $0xFFFFC000  }
0xa7: {  	[tilespmem:s18], [sflag:$0x1] =	stream.indirect.gather [hbm4b:s24+s1], $0x80, s10, s1, $0xb8;
	[tilespmem:$0x1C040] =	vst v63  }
0xa8: {  	_ =	swait.ge [sflag:s4], $0x4000  }
0xa9: {  	[sflag:s4] =	ssyncset.done $0x0  }
.Ltmp1:
0xaa: {  	s10 =	sadd.s32 $0x5080, s9;
	[sflag:s4] =	ssyncadd.s32 $0xFFFFC000;
	(pc) =	sbr.rel @p1 .LBB2_4-.Ltmp1, $4  }
0xab: {  	[spmem:s21] =	stream.indirect.scatter.add.f32 [tilespmem:s2], [sflag:$0x3], $0x80, s10, s1, $0xb8;
	[tilespmem:$0x1C040] =	vst v63  }
0xac: {  	_ =	swait.ge [sflag:s31], $0x4000  }
0xad: {  	[sflag:s31] =	ssyncset.done $0x0  }
0xae: {  	s9 =	sadd.s32 $0x180, s9;
	[sflag:s31] =	ssyncadd.s32 $0xFFFFC000  }
0xaf: {  	[tilespmem:s2], [sflag:$0x2] =	stream.indirect.gather [hbm4b:s24+s1], $0x80, s9, s1, $0xb8;
	[tilespmem:$0x1C040] =	vst v63  }
0xb0: {  	_ =	swait.ge [sflag:s3], $0x4000  }
0xb1: {  	[sflag:s3] =	ssyncset.done $0x0  }
0xb2: {  	s8 =	simm.s32 $0x9F00;
	[sflag:s3] =	ssyncadd.s32 $0xFFFFC000  }
0xb3: {  	[spmem:s21] =	stream.indirect.scatter.add.f32 [tilespmem:s18], [sflag:$0x3], $0x80, s8, s1, $0xb8;
	[tilespmem:$0x1C040] =	vst v63  }
0xb4: {  	_ =	swait.ge [sflag:s31], $0x4000  }
0xb5: {  	[sflag:s31] =	ssyncset.done $0x0  }
0xb6: {  	[sflag:s31] =	ssyncadd.s32 $0xFFFFC000  }
0xb7: {  	_ =	swait.ge [sflag:s4], $0x4000  }
0xb8: {  	[sflag:s4] =	ssyncset.done $0x0  }
0xb9: {  	s10 =	simm.s32 $0x9F80;
	[sflag:s4] =	ssyncadd.s32 $0xFFFFC000  }
0xba: {  	[spmem:s21] =	stream.indirect.scatter.add.f32 [tilespmem:s2], [sflag:$0x3], $0x80, s10, s1, $0xb8;
	[tilespmem:$0x1C040] =	vst v63  }
0xbb: {  	_ =	swait.ge [sflag:s31], $0x4000  }
0xbc: {  	s5 =	sadd.s32 $0x1, s5;
	[sflag:s31] =	ssyncset.done $0x0  }
0xbd: {  	p1 =	sne.s32 s5, s29;
	[sflag:s31] =	ssyncadd.s32 $0xFFFFC000  }
.Ltmp2:
0xbe: {  	[bflag:$0x0] =	sbarrier.arrive $0xFFFF;
	(pc) =	sbr.rel @p1 .LBB2_1-.Ltmp2, $4  }
0xbf: {  	[hbm:s28], [sflag:s6] =	dma.local [spmem:s7], $0x1400  }
0xc0: {  	_ =	swait.ge [sflag:s31], $0x1400  }
0xc1: {  	[sflag:s31] =	ssyncset.done $0x0  }
0xc2: {  	[sflag:s31] =	ssyncadd.s32 $0xFFFFEC00  }
0xc3: {  	_ =	sfence.sel $0x180000  }
0xc4: {  	[bflag:$0x0] =	sbarrier.arrive $0xFFFF  }
0xc5: {  	_ =	strace $0x9000004D  }
0xc6: {  	[bflag:$0x2] =	sbarrier.arrive $0xFFFF  }
0xc7: {  	s0 =	rddreg [dreg:$0x2]  }
0xc8: {  	s0 =	sadd.s32 @!p0 $0x100000, s0  }
0xc9: {  	[sflag:s0] =	ssyncadd.tile.s32 @!p0 $0x1;
	_ =	shalt  }
.Lfunc_end2:
_tile_overlayer_lowered:
.L_overlay_start_2:
0xca: {  	(tag) =	ssettag $0x2  }
0xcb: {  	s0 =	rddreg [dreg:$0x0];
	s2 =	stileid.u32  }
0xcc: {  	s1 =	rddreg [dreg:$0x1];
	p0 =	sne.s32 s2, $0x0  }
0xcd: {  	s3 =	rddreg [dreg:$0x2];
	[bflag:$0x3] =	sbarrier.arrive $0xFFFF;
	s2 =	simm.s32 @!p0 $0x1C03  }
0xce: {  	[timem:s3], [sflag:s2] =	dma.local @!p0 [hbm:s0], s1  }
0xcf: {  	s0 =	simm.s32 @!p0 $0x3  }
0xd0: {  	_ =	swait.ge @!p0 [sflag:s0], s1  }
0xd1: {  	s1 =	ssub.s32 @!p0 $0x0, s1;
	[sflag:s0] =	ssyncset.done @!p0 $0x0  }
0xd2: {  	[sflag:s0] =	ssyncadd.s32 @!p0 s1  }
0xd3: {  	[bflag:$0x3] =	sbarrier.arrive $0xFFFF  }
0xd4: {  	_ =	shalt  }

// kernel: kernel.8.cloned.1.call-start
scs
__scs_entry_jumppad:
0x0: {  	(pc) =	sbr.rel $0x88, $3  }
0x1: {  	(tag) =	ssettag $0x0;
	lr =	simm.s32 $0x1  }
0x2: {  	[smem:$0x3F99] =	sst lr;
	_ =	strace $0xD0000000  }
0x3: {  	_ = 	snop  }
0x4: {  	_ = 	snop  }
0x5: {  	_ = 	snop  }
0x6: {  	_ = 	snop  }
0x7: {  	_ = 	snop  }
__scs_overlays_trampoline_lowered:
0x8: {  	[smem:$0x3FA8] =	sst s0  }
0x9: {  	[smem:$0x3FA9] =	sst s1  }
0xa: {  	[smem:$0x3FAA] =	sst s2  }
0xb: {  	[smem:$0x3FAB] =	sst s3  }
0xc: {  	[smem:$0x3FAC] =	sst s4  }
0xd: {  	[smem:$0x3FAD] =	sst s5  }
0xe: {  	[smem:$0x3FAE] =	sst s6  }
0xf: {  	[smem:$0x3FAF] =	sst s7  }
0x10: {  	[smem:$0x3FB0] =	sst s8  }
0x11: {  	[smem:$0x3FB1] =	sst s9;
	s0 =	simm.s32 @!p0 $0x0  }
0x12: {  	s1 =	sld [smem:$0x3F97];
	s0 =	simm.s32 @p0 $0x1  }
0x13: {  	[smem:$0x3FB2] =	sst s0;
	s0 =	simm.s32 @!p1 $0x0  }
0x14: {  	s2 =	sld [smem:$0x3F96];
	s0 =	simm.s32 @p1 $0x1  }
0x15: {  	[smem:$0x3FB3] =	sst s0;
	s0 =	simm.s32 @!p2 $0x0  }
0x16: {  	s3 =	sld [smem:$0x3FDB];
	s0 =	simm.s32 @p2 $0x1  }
0x17: {  	s4 =	simm.s32 $0x1BF5;
	[smem:$0x3FB5] =	sst s0  }
0x18: {  	s0 =	sld [smem:$0x3F98];
	_ =	swait.ge [sflag:s4], $0x0  }
0x19: {  	s7 =	sld [smem:$0x3F99]  }
0x1a: {  	s8 =	sadd.s32 $0xFFFFE003, lr  }
0x1b: {  	s9 =	sadd.s32 $0xFFFFFEF7, lr;
	s5 =	simm.s32 $0xFFFFFFFF;
	p2 =	slt.u32 s8, $0xFFFFF086  }
0x1c: {  	p1 =	slt.u32 s9, $0xF7A;
	s5 =	simm.s32 @!p2 $0x0  }
0x1d: {  	s5 =	simm.s32 @p1 $0x1;
	p0 =	seq.s32 s7, s2  }
0x1e: {  	s7 =	smul.u32 @!p0 $0xF7A, s2;
	p2 =	seq.s32 @!p0 s5, $0x0  }
0x1f: {  	s9 =	smul.u32 $0xF7A, s1;
	s8 =	simm.s32 @!p0 $0x1BF5;
	p2 =	por !p2, p0  }
0x20: {  	[sflag:s8] =	ssyncset.s32 @!p0 $0xFFFFF086;
	s6 =	sadd.s32 @!p0 s3, s7;
	s7 =	simm.s32 @!p0 $0x108  }
0x21: {  	s3 =	sadd.s32 s3, s9;
	s6 =	sadd.s32 @!p0 $0x88, s6;
	s7 =	simm.s32 @p2 $0x1082  }
0x22: {  	[simem:s7], [sflag:s8] =	dma.local @!p0 [hbm:s6], $0xF7A  }
0x23: {  	s9 =	sor.u32 $0xD0000000, s2;
	s6 =	simm.s32 $0x108;
	_ =	swait.ge @!p0 [sflag:s8], $0x0  }
0x24: {  	s3 =	sadd.s32 $0x88, s3;
	s6 =	simm.s32 @!p1 $0x1082;
	[sflag:s4] =	ssyncset.s32 $0xFFFFF086  }
0x25: {  	[simem:s6], [sflag:s4] =	dma.local [hbm:s3], $0xF7A  }
0x26: {  	[smem:$0x3F99] =	sst s1;
	(tag) =	ssettag s2;
	_ =	strace s9  }
0x27: {  	s1 =	sld [smem:$0x3FA9]  }
0x28: {  	s2 =	sld [smem:$0x3FAA]  }
0x29: {  	s4 =	sld [smem:$0x3FAC]  }
0x2a: {  	p0 =	seq.s32 s5, $0x0;
	s5 =	sld [smem:$0x3FAD]  }
0x2b: {  	s6 =	sld [smem:$0x3FAE]  }
0x2c: {  	s7 =	sld [smem:$0x3FAF]  }
0x2d: {  	s3 =	simm.s32 $0x108;
	s8 =	sld [smem:$0x3FB0]  }
0x2e: {  	s3 =	simm.s32 @!p0 $0x1082;
	s9 =	sld [smem:$0x3FB1]  }
0x2f: {  	lr =	sadd.s32 s0, s3;
	s0 =	sld [smem:$0x3FA8]  }
0x30: {  	s3 =	sld [smem:$0x3FAB]  }
0x31: {  	[smem:$0x3FB4] =	sst s10  }
0x32: {  	s10 =	sld [smem:$0x3FB2];
	_ =	sdelay $0x3  }
0x33: {  	p0 =	seq.s32 s10, $0x1;
	s10 =	sld [smem:$0x3FB4];
	_ =	sdelay $0x3  }
0x34: {  	[smem:$0x3FB4] =	sst s10  }
0x35: {  	s10 =	sld [smem:$0x3FB3];
	_ =	sdelay $0x3  }
0x36: {  	p1 =	seq.s32 s10, $0x1;
	s10 =	sld [smem:$0x3FB4];
	_ =	sdelay $0x3  }
0x37: {  	[smem:$0x3FB4] =	sst s10  }
0x38: {  	s10 =	sld [smem:$0x3FB5]  }
0x39: {  	_ = 	snop;
	(pc) =	sbr.ind lr, $3  }
0x3a: {  	_ = 	snop  }
0x3b: {  	_ = 	snop  }
0x3c: {  	p2 =	seq.s32 s10, $0x1;
	s10 =	sld [smem:$0x3FB4]  }
0x3d: {  	_ =	shalt  }
0x3e: {  	_ =	shalt  }
0x3f: {  	_ =	shalt  }
0x40: {  	_ =	shalt  }
0x41: {  	_ =	shalt  }
0x42: {  	_ =	shalt  }
0x43: {  	_ =	shalt  }
0x44: {  	_ =	shalt  }
0x45: {  	_ =	shalt  }
0x46: {  	_ =	shalt  }
0x47: {  	_ =	shalt  }
0x48: {  	_ =	shalt  }
0x49: {  	_ =	shalt  }
0x4a: {  	_ =	shalt  }
0x4b: {  	_ =	shalt  }
0x4c: {  	_ =	shalt  }
0x4d: {  	_ =	shalt  }
0x4e: {  	_ =	shalt  }
0x4f: {  	_ =	shalt  }
0x50: {  	_ =	shalt  }
0x51: {  	_ =	shalt  }
0x52: {  	_ =	shalt  }
0x53: {  	_ =	shalt  }
0x54: {  	_ =	shalt  }
0x55: {  	_ =	shalt  }
0x56: {  	_ =	shalt  }
0x57: {  	_ =	shalt  }
0x58: {  	_ =	shalt  }
0x59: {  	_ =	shalt  }
0x5a: {  	_ =	shalt  }
0x5b: {  	_ =	shalt  }
0x5c: {  	_ =	shalt  }
0x5d: {  	_ =	shalt  }
0x5e: {  	_ =	shalt  }
0x5f: {  	_ =	shalt  }
0x60: {  	_ =	shalt  }
0x61: {  	_ =	shalt  }
0x62: {  	_ =	shalt  }
0x63: {  	_ =	shalt  }
0x64: {  	_ =	shalt  }
0x65: {  	_ =	shalt  }
0x66: {  	_ =	shalt  }
0x67: {  	_ =	shalt  }
0x68: {  	_ =	shalt  }
0x69: {  	_ =	shalt  }
0x6a: {  	_ =	shalt  }
0x6b: {  	_ =	shalt  }
0x6c: {  	_ =	shalt  }
0x6d: {  	_ =	shalt  }
0x6e: {  	_ =	shalt  }
0x6f: {  	_ =	shalt  }
0x70: {  	_ =	shalt  }
0x71: {  	_ =	shalt  }
0x72: {  	_ =	shalt  }
0x73: {  	_ =	shalt  }
0x74: {  	_ =	shalt  }
0x75: {  	_ =	shalt  }
0x76: {  	_ =	shalt  }
0x77: {  	_ =	shalt  }
0x78: {  	_ =	shalt  }
0x79: {  	_ =	shalt  }
0x7a: {  	_ =	shalt  }
0x7b: {  	_ =	shalt  }
0x7c: {  	_ =	shalt  }
0x7d: {  	_ =	shalt  }
0x7e: {  	_ =	shalt  }
0x7f: {  	_ =	shalt  }
0x80: {  	_ =	shalt  }
0x81: {  	_ =	shalt  }
0x82: {  	_ =	shalt  }
0x83: {  	_ =	shalt  }
0x84: {  	_ =	shalt  }
0x85: {  	_ =	shalt  }
0x86: {  	_ =	shalt  }
0x87: {  	_ =	shalt  }
.Lfunc_end0:
.L_simem_size_0:
called_computation_lowered:
.L_overlay_start_0:
0x88: {  	s2 =	sld [smem:$0x3FD9]  }
0x89: {  	s3 =	sld [smem:$0x3FFE];
	_ =	sdelay $0x1  }
0x8a: {  	s1 =	srdreg.scid  }
0x8b: {  	s0 =	sand.u32 $0x1, s1  }
0x8c: {  	s16 =	sshll.u32 s0, $0xA;
	s2 =	sadd.s32 s3, s2  }
0x8d: {  	s2 =	sadd.s32 s2, s16  }
0x8e: {  	[smem:$0x3FC0] =	sst s2  }
0x8f: {  	_ = 	snop  }
0x90: {  	(tm) =	ssettm $0x1  }
0x91: {  	s17 =	sld [smem:$0x3FFB];
	_ =	sdelay $0x3  }
0x92: {  	_ =	strace s17  }
0x93: {  	s2 =	sld [smem:$0x3FFC];
	_ =	sdelay $0x3  }
0x94: {  	_ =	strace s2  }
0x95: {  	s2 =	sld [smem:$0x3FFD];
	_ =	sdelay $0x3  }
0x96: {  	_ =	strace s2  }
0x97: {  	_ =	strace $0x8FFFFFFF  }
0x98: {  	s18 =	sld [smem:$0x3FDB];
	_ =	sdelay $0x1  }
0x99: {  	s19 =	simm.s32 $_scs_section_size  }
0x9a: {  	s4 =	simm.s32 $_size__tile_overlayer_lowered;
	s5 =	simm.s32 $_tile_overlayer_lowered  }
0x9b: {  	s22 =	simm.s32 $0x1BFF;
	s21 =	sshll.u32 s5, $0x1;
	s2 =	sadd.s32 s19, s18  }
0x9c: {  	s6 =	simm.s32 $0x0;
	s20 =	sshll.u32 s4, $0x1;
	s4 =	sadd.s32 s21, s2  }
0x9d: {  	[timem:s6], [sflag:s22] =	dma.local [hbm:s4], s20  }
0x9e: {  	_ =	swait.ge [sflag:s22], s20  }
0x9f: {  	s3 =	ssub.s32 $0x0, s20;
	[sflag:s22] =	ssyncset.done $0x0  }
0xa0: {  	[sflag:s22] =	ssyncadd.s32 s3;
	_ =	sdelay $0x1  }
0xa1: {  	s23 =	simm.s32 $0x1B8B  }
0xa2: {  	_ =	swait.ge [sflag:s23], $0x1  }
0xa3: {  	[sflag:s23] =	ssyncset.done $0x0  }
0xa4: {  	s25 =	simm.s32 $0x1B8E;
	s24 =	sld [smem:$0x3FFE];
	[sflag:s23] =	ssyncadd.s32 $0xFFFFFFFF  }
0xa5: {  	s26 =	simm.s32 $execute0_lowered;
	[smem:$0x3FD2] =	sst s25  }
0xa6: {  	s4 =	sshll.u32 s26, $0x1;
	_ =	strace $0x80000046;
	[dreg:$0x1] =	wrdreg $0xFFFFFFFF  }
0xa7: {  	s28 =	simm.s32 $_size_execute0_lowered;
	s2 =	sadd.s32 s2, s4;
	[dreg:$0x0] =	wrdreg $0x0  }
0xa8: {  	s4 =	sshll.u32 s28, $0x1;
	[dreg:$0x2] =	wrdreg s2  }
0xa9: {  	[dreg:$0x3] =	wrdreg s4  }
0xaa: {  	[dreg:$0x4] =	wrdreg $0xC0  }
0xab: {  	_ =	task [dreg:s6], $0x5FFFF  }
0xac: {  	[dreg:$0x1] =	wrdreg $0xFFFFFFFF  }
0xad: {  	[dreg:$0x0] =	wrdreg $0x60  }
0xae: {  	[dreg:$0x2] =	wrdreg s24  }
0xaf: {  	[dreg:$0x3] =	wrdreg $0x9  }
0xb0: {  	_ =	task.clear_ibuf [dreg:s6], $0x4FFFF;
	_ =	strace $0x90000046  }
0xb1: {  	s29 =	simm.s32 $0x9;
	_ =	strace $0x80000048  }
0xb2: {  	_ =	swait.ge [sflag:s29], $0x1  }
0xb3: {  	[sflag:s29] =	ssyncadd.s32 $0xFFFFFFFF  }
0xb4: {  	_ =	strace $0x90000048  }
0xb5: {  	_ =	sfence  }
0xb6: {  	s30 =	sld [smem:$0x0];
	_ =	sdelay $0x2  }
0xb7: {  	s31 =	sshll.u32 s1, $0xD;
	s1 =	sshrl.u32 s1, $0x2  }
0xb8: {  	s3 =	sand.u32 $0x4000, s31;
	s1 =	sadd.s32 s1, s30  }
0xb9: {  	s0 =	sor.u32 s3, s0;
	s1 =	sshll.u32 s1, $0x11  }
0xba: {  	s0 =	sor.u32 s1, s0  }
0xbb: {  	s0 =	sadd.s32 $0x8F2B, s0  }
0xbc: {  	[sflag:s0] =	ssyncadd.remote.s32 $0x1  }
0xbd: {  	_ =	sfence.sel $0xFFFF  }
0xbe: {  	[dreg:$0x0] =	wrdreg $0xFFFFFFFF;
	(pc) =	sbr.abs _section_cstart, $3  }
0xbf: {  	[dreg:$0x1] =	wrdreg $0xFFFFFFFF  }
0xc0: {  	_ =	task.clear_ibuf [dreg:s6], $0x2FFFF;
	_ =	strace $0x9FFFFFFF  }
0xc1: {  	(tm) =	ssettm $0x7FFFFFFF  }
tec
execute0_lowered:
.L_overlay_start_1:
0x0: {  	(tag) =	ssettag $0x1  }
0x1: {  	s0 =	stileid.u32;
	s1 =	srdreg.scid  }
0x2: {  	s5 =	rddreg [dreg:$0x0];
	s3 =	smul.u32 $0xA00, s0;
	s4 =	sand.u32 $0x1, s1  }
0x3: {  	s2 =	simm.s32 $0x0;
	s1 =	rddreg [dreg:$0x1];
	s9 =	smul.u32 $0xA000, s4  }
0x4: {  	s7 =	smul.u32 $0x2800, s0;
	[smem:$0x7FF] =	sst s2  }
0x5: {  	s6 =	smul.u32 $0x28000, s4;
	_ =	strace $0x80000047;
	s31 =	sshrl.u32 s9, $0x2  }
0x6: {  	s28 =	ssub.s32 $0x2, s4;
	s8 =	sadd.s32 s3, s5;
	s9 =	sor.u32 $0x40, s31  }
0x7: {  	s3 =	sadd.s32 $0xC400, s5;
	s29 =	sshrl.u32 s28, $0x1;
	s26 =	sadd.s32 s7, s6;
	v1 =	vmov s9  }
0x8: {  	s30 =	ssub.s32 s28, s29;
	s4 =	sadd.s32 $0x2400, s8;
	s6 =	sshrl.u32 s26, $0x3  }
0x9: {  	s7 =	simm.s32 $0x1;
	s8 =	simm.s32 $0x5000;
	s5 =	sadd.s32 s6, s5  }
0xa: {  	v0 =	vimm.f32 $1.000000000e+00;
	s6 =	smax.u32 s30, $0x1;
	s9 =	simm.s32 $0x0;
	s5 =	sadd.s32 $0xD800, s5  }
.LBB2_1:
0xb: {  	[tilespmem:s2], [sflag:$0x1] =	stream.linear.gather [hbm4b:s4+s2], $0x5000, $0x38;
	[tilespmem:$0x7800] =	vst v63  }
0xc: {  	_ =	swait.ge [sflag:s7], $0x5000  }
0xd: {  	[sflag:s7] =	ssyncset.done $0x0  }
0xe: {  	[sflag:s7] =	ssyncadd.s32 $0xFFFFB000  }
0xf: {  	[tilespmem:s8], [sflag:$0x1] =	stream.linear.gather [hbm4b:s3+s2], $0x2800, $0x38;
	[tilespmem:$0x7800] =	vst v63  }
0x10: {  	_ =	swait.ge [sflag:s7], $0x2800  }
0x11: {  	[sflag:s7] =	ssyncset.done $0x0  }
0x12: {  	s10 =	simm.s32 $0x0;
	[sflag:s7] =	ssyncadd.s32 $0xFFFFD800  }
.LBB2_2:
0x13: {  	s11 =	sshra.s32 s10, $0x2  }
0x14: {  	v2 =	vld.idx.msk [tilespmem:v1+s11+$0xFFFFFFC0 ss:$0x1], $0xffff;
	_ =	sdelay $0x7  }
0x15: {  	[tilespmem:v2+s8+$0x0] =	vst.idx.add.f32.msk $0xffff, v0  }
0x16: {  	v2 =	vld.idx.msk [tilespmem:v1+s11+$0xFFFFFFD0 ss:$0x1], $0xffff;
	_ =	sdelay $0x7  }
0x17: {  	[tilespmem:v2+s8+$0x0] =	vst.idx.add.f32.msk $0xffff, v0  }
0x18: {  	v2 =	vld.idx.msk [tilespmem:v1+s11+$0xFFFFFFE0 ss:$0x1], $0xffff;
	_ =	sdelay $0x7  }
0x19: {  	[tilespmem:v2+s8+$0x0] =	vst.idx.add.f32.msk $0xffff, v0  }
0x1a: {  	v2 =	vld.idx.msk [tilespmem:v1+s11+$0xFFFFFFF0 ss:$0x1], $0xffff;
	_ =	sdelay $0x7  }
0x1b: {  	[tilespmem:v2+s8+$0x0] =	vst.idx.add.f32.msk $0xffff, v0  }
0x1c: {  	v2 =	vld.idx.msk [tilespmem:v1+s11+$0x0 ss:$0x1], $0xffff;
	_ =	sdelay $0x7  }
0x1d: {  	[tilespmem:v2+s8+$0x0] =	vst.idx.add.f32.msk $0xffff, v0  }
0x1e: {  	v2 =	vld.idx.msk [tilespmem:v1+s11+$0x10 ss:$0x1], $0xffff;
	_ =	sdelay $0x7  }
0x1f: {  	[tilespmem:v2+s8+$0x0] =	vst.idx.add.f32.msk $0xffff, v0  }
0x20: {  	v2 =	vld.idx.msk [tilespmem:v1+s11+$0x20 ss:$0x1], $0xffff;
	_ =	sdelay $0x7  }
0x21: {  	[tilespmem:v2+s8+$0x0] =	vst.idx.add.f32.msk $0xffff, v0  }
0x22: {  	v2 =	vld.idx.msk [tilespmem:v1+s11+$0x30 ss:$0x1], $0xffff;
	_ =	sdelay $0x2  }
0x23: {  	p0 =	sne.s32 s10, $0x9E00  }
.Ltmp0:
0x24: {  	_ = 	snop;
	(pc) =	sbr.rel @p0 .LBB2_2-.Ltmp0, $2  }
0x25: {  	_ =	sdelay $0x2  }
0x26: {  	s10 =	sadd.s32 $0x200, s10;
	[tilespmem:v2+s8+$0x0] =	vst.idx.add.f32.msk $0xffff, v0  }
0x27: {  	s9 =	sadd.s32 $0x1, s9  }
0x28: {  	p0 =	sne.s32 s9, s6  }
.Ltmp1:
0x29: {  	_ = 	snop;
	(pc) =	sbr.rel @p0 .LBB2_1-.Ltmp1, $4  }
0x2a: {  	[hbm4b:s5+s2] =	stream.linear.scatter [tilespmem:s8], [sflag:$0x1], $0x2800, $0x38;
	[tilespmem:$0x7800] =	vst v63  }
0x2b: {  	_ =	swait.ge [sflag:s7], $0x2800  }
0x2c: {  	[sflag:s7] =	ssyncset.done $0x0  }
0x2d: {  	[sflag:s7] =	ssyncadd.s32 $0xFFFFD800  }
0x2e: {  	_ =	sfence.sel $0x180000  }
0x2f: {  	[bflag:$0x0] =	sbarrier.arrive $0xFFFF  }
0x30: {  	p0 =	sne.s32 s0, $0x0;
	_ =	strace $0x90000047  }
0x31: {  	s0 =	sadd.s32 @!p0 $0x100000, s1;
	[bflag:$0x2] =	sbarrier.arrive $0xFFFF  }
0x32: {  	[sflag:s0] =	ssyncadd.tile.s32 @!p0 $0x1;
	_ =	shalt  }
.Lfunc_end2:
_tile_overlayer_lowered:
.L_overlay_start_2:
0x33: {  	(tag) =	ssettag $0x2  }
0x34: {  	s0 =	rddreg [dreg:$0x0];
	s2 =	stileid.u32  }
0x35: {  	s1 =	rddreg [dreg:$0x1];
	p0 =	sne.s32 s2, $0x0  }
0x36: {  	s3 =	rddreg [dreg:$0x2];
	[bflag:$0x3] =	sbarrier.arrive $0xFFFF;
	s2 =	simm.s32 @!p0 $0x1C01  }
0x37: {  	[timem:s3], [sflag:s2] =	dma.local @!p0 [hbm:s0], s1  }
0x38: {  	s0 =	simm.s32 @!p0 $0x1  }
0x39: {  	_ =	swait.ge @!p0 [sflag:s0], s1  }
0x3a: {  	s1 =	ssub.s32 @!p0 $0x0, s1;
	[sflag:s0] =	ssyncset.done @!p0 $0x0  }
0x3b: {  	[sflag:s0] =	ssyncadd.s32 @!p0 s1  }
0x3c: {  	[bflag:$0x3] =	sbarrier.arrive $0xFFFF  }
0x3d: {  	_ =	shalt  }

</sc_bundles>
